<compile_context>
chip_gen: v7x
topology: tpu7x:2x2x1
jax: 0.10.2.dev20260603
libtpu: 0.0.44.dev20260713+nightly
codegen_flags: <defaults>
</compile_context>

<pallas_src>
import jax
import jax.numpy as jnp
from jax import lax
from jax.experimental import pallas as pl
from jax.experimental.pallas import tpu as pltpu
from jax.experimental.pallas import tpu_sc as plsc

HIDDEN = 1024
LANES = 16
CHUNKS = HIDDEN // LANES


def _sc_body(
    day_hbm, msg_hbm, agent_hbm,
    day_t_hbm, msg_t_hbm, agent_t_hbm, w_hbm, b_hbm,
    out_a_hbm, out_b_hbm,
    day_idx_v, agent_idx_v, msgf_v, msg_idx_v,
    row_d, row_m, row_a, w_v, b_v, out_a_v, out_b_v,
    sem_w, sem_idx, sem_b, sem_rows,
):
    cid = lax.axis_index("c")
    sid = lax.axis_index("s")

    @pl.when(jnp.logical_and(cid == 0, sid == 0))
    def _():
        cw = pltpu.async_copy(w_hbm, w_v, sem_w)
        c_day = pltpu.async_copy(day_hbm, day_idx_v, sem_idx)
        c_agt = pltpu.async_copy(agent_hbm, agent_idx_v, sem_idx)
        c_msg = pltpu.async_copy(msg_hbm, msgf_v.at[pl.ds(0, 1)], sem_idx)
        c_b = pltpu.async_copy(b_hbm, b_v.at[pl.ds(0, 2)], sem_b)
        c_day.wait()
        c_agt.wait()
        c_msg.wait()
        msg_idx_v[...] = (msgf_v[...] + 0.5).astype(jnp.int32)
        cd = pltpu.async_copy(day_t_hbm.at[day_idx_v], row_d, sem_rows)
        cm = pltpu.async_copy(
            msg_t_hbm.at[msg_idx_v.at[pl.ds(0, 1)]], row_m, sem_rows)
        ca = pltpu.async_copy(agent_t_hbm.at[agent_idx_v], row_a, sem_rows)
        cd.wait()
        cm.wait()
        ca.wait()
        cw.wait()
        c_b.wait()

        lane = lax.iota(jnp.int32, LANES)

        idx0 = 2 * lane
        idx1 = idx0 + 1
        UNROLL = 8
        zero = jnp.zeros((LANES,), jnp.float32)

        def body(o, carry):
            accs = list(carry)
            for j in range(UNROLL):
                i = o * UNROLL + j
                x = (
                    row_d[0, pl.ds(i * LANES, LANES)]
                    + row_m[0, pl.ds(i * LANES, LANES)]
                    + row_a[0, pl.ds(i * LANES, LANES)]
                )
                w_sl = w_v.at[pl.ds(2 * i * LANES, 2 * LANES)]
                w0 = plsc.load_gather(w_sl, [idx0])
                w1 = plsc.load_gather(w_sl, [idx1])
                accs[2 * j] = accs[2 * j] + x * w0
                accs[2 * j + 1] = accs[2 * j + 1] + x * w1
            return tuple(accs)

        accs = lax.fori_loop(
            0, CHUNKS // UNROLL, body, (zero,) * (2 * UNROLL)
        )
        s0 = jnp.sum(sum(accs[0::2]))
        s1 = jnp.sum(sum(accs[1::2]))
        zeros_i = jnp.zeros((LANES,), jnp.int32)
        b0 = plsc.load_gather(b_v, [zeros_i])
        b1 = plsc.load_gather(b_v, [zeros_i + 1])
        za = s0 + b0
        zb = s1 + b1
        out_a_v[...] = 1.0 / (1.0 + jnp.exp(-za))
        out_b_v[...] = 1.0 / (1.0 + jnp.exp(-zb))
        pltpu.sync_copy(out_a_v.at[pl.ds(0, 1)], out_a_hbm)
        pltpu.sync_copy(out_b_v.at[pl.ds(0, 1)], out_b_hbm)


@jax.jit
def _run(day, message, agent_id, day_table, msg_table, agent_table, W, b):
    mesh = plsc.VectorSubcoreMesh(
        core_axis_name="c", subcore_axis_name="s", num_cores=1)
    out_a, out_b = pl.kernel(
        _sc_body,
        mesh=mesh,
        out_type=[
            jax.ShapeDtypeStruct((1,), jnp.float32),
            jax.ShapeDtypeStruct((1,), jnp.float32),
        ],
        compiler_params=pltpu.CompilerParams(
            needs_layout_passes=False,
            use_tc_tiling_on_sc=False,
            skip_device_barrier=True,
            disable_bounds_checks=True,
            disable_semaphore_checks=True,
        ),
        scratch_types=[
            pltpu.VMEM((1,), jnp.int32),
            pltpu.VMEM((1,), jnp.int32),
            pltpu.VMEM((LANES,), jnp.float32),
            pltpu.VMEM((LANES,), jnp.int32),
            pltpu.VMEM((1, HIDDEN), jnp.float32),
            pltpu.VMEM((1, HIDDEN), jnp.float32),
            pltpu.VMEM((1, HIDDEN), jnp.float32),
            pltpu.VMEM((HIDDEN * 2,), jnp.float32),
            pltpu.VMEM((LANES,), jnp.float32),
            pltpu.VMEM((LANES,), jnp.float32),
            pltpu.VMEM((LANES,), jnp.float32),
            pltpu.SemaphoreType.DMA,
            pltpu.SemaphoreType.DMA,
            pltpu.SemaphoreType.DMA,
            pltpu.SemaphoreType.DMA,
        ],
    )(day, message, agent_id, day_table, msg_table, agent_table,
      W.reshape(HIDDEN * 2), b)
    return out_a.reshape(()), out_b.reshape(())


def kernel(day, message, agent_id, day_table, msg_table, agent_table, W, b):
    return _run(day, message, agent_id, day_table, msg_table, agent_table, W, b)

# --- scband reference (transcript-rebuilt; emitter-appended) ---
"""Pipeline reference for scband-agent-39256001085848 (READ-ONLY COPY).

The authoritative reference and input builder live on the scoring server;
editing this copy changes nothing except your own understanding.
"""

import jax, jax.numpy as jnp
import numpy as np

HIDDEN = 1024
MAX_DAYS = 30

def setup_inputs(seed: int = 0) -> dict:
    key = jax.random.key(seed)
    k = jax.random.split(key, 8)
    day = jax.random.randint(k[0], (1,), 0, MAX_DAYS + 1)
    message = jax.random.uniform(k[1], (1,), dtype=jnp.float32)
    agent_id = jax.random.randint(k[2], (1,), 0, 3)
    day_table = jax.random.normal(k[3], (MAX_DAYS + 1, HIDDEN), dtype=jnp.float32)
    msg_table = jax.random.normal(k[4], (2, HIDDEN), dtype=jnp.float32)
    agent_table = jax.random.normal(k[5], (3, HIDDEN), dtype=jnp.float32)
    W = jax.random.normal(k[6], (HIDDEN, 2), dtype=jnp.float32) * (1.0 / np.sqrt(HIDDEN))
    b = jnp.zeros((2,), dtype=jnp.float32)
    return {"day": day, "message": message, "agent_id": agent_id,
            "day_table": day_table, "msg_table": msg_table,
            "agent_table": agent_table, "W": W, "b": b}

def reference(day, message, agent_id, day_table, msg_table, agent_table, W, b):
    # message_embedding = self.message_lookup((message + 0.5).long())
    msg_idx = (message + 0.5).astype(jnp.int32)
    day_emb = jnp.take(day_table, day, axis=0)
    msg_emb = jnp.take(msg_table, msg_idx, axis=0)
    agent_emb = jnp.take(agent_table, agent_id, axis=0)
    x = day_emb + msg_emb + agent_emb
    out = jax.nn.sigmoid(x @ W + b).reshape(-1)
    # original unpacks view(-1) of shape [2] into (action, message)
    action = out[0]
    message_out = out[1]
    return (action, message_out)

if __name__ == "__main__":
    import jax
    _d = setup_inputs()
    print(jax.jit(kernel)(*tuple(_d.values())))

</pallas_src>

<mosaic_0001>
#map = affine_map<(d0, d1) -> (0)>
#map1 = affine_map<(d0, d1) -> (0, 0)>
module attributes {stable_mosaic.version = 14 : i64} {
  func.func @_sc_body(%arg0: i32, %arg1: i32, %arg2: memref<1xi32, #tpu.memory_space<hbm>>, %arg3: memref<1xf32, #tpu.memory_space<hbm>>, %arg4: memref<1xi32, #tpu.memory_space<hbm>>, %arg5: memref<31x1024xf32, #tpu.memory_space<hbm>>, %arg6: memref<2x1024xf32, #tpu.memory_space<hbm>>, %arg7: memref<3x1024xf32, #tpu.memory_space<hbm>>, %arg8: memref<2048xf32, #tpu.memory_space<hbm>>, %arg9: memref<2xf32, #tpu.memory_space<hbm>>, %arg10: memref<1xf32, #tpu.memory_space<hbm>>, %arg11: memref<1xf32, #tpu.memory_space<hbm>>, %arg12: memref<1xi32, #tpu.memory_space<vmem>>, %arg13: memref<1xi32, #tpu.memory_space<vmem>>, %arg14: memref<16xf32, #tpu.memory_space<vmem>>, %arg15: memref<16xi32, #tpu.memory_space<vmem>>, %arg16: memref<1x1024xf32, #tpu.memory_space<vmem>>, %arg17: memref<1x1024xf32, #tpu.memory_space<vmem>>, %arg18: memref<1x1024xf32, #tpu.memory_space<vmem>>, %arg19: memref<2048xf32, #tpu.memory_space<vmem>>, %arg20: memref<16xf32, #tpu.memory_space<vmem>>, %arg21: memref<16xf32, #tpu.memory_space<vmem>>, %arg22: memref<16xf32, #tpu.memory_space<vmem>>, %arg23: memref<!tpu.dma_semaphore, #tpu.memory_space<semaphore_mem>>, %arg24: memref<!tpu.dma_semaphore, #tpu.memory_space<semaphore_mem>>, %arg25: memref<!tpu.dma_semaphore, #tpu.memory_space<semaphore_mem>>, %arg26: memref<!tpu.dma_semaphore, #tpu.memory_space<semaphore_mem>>) attributes {dimension_semantics = [#tpu.dimension_semantics<core_parallel>, #tpu.dimension_semantics<subcore_parallel>], iteration_bounds = array<i64: 1, 16>, scalar_prefetch = 0 : i64, scratch_operands = 15 : i64, tpu.core_type = #tpu.core_type<sc_vector_subcore>, window_params = [{transform_indices = #map}, {transform_indices = #map}, {transform_indices = #map}, {transform_indices = #map1}, {transform_indices = #map1}, {transform_indices = #map1}, {transform_indices = #map}, {transform_indices = #map}, {transform_indices = #map}, {transform_indices = #map}]} {
    %eq3A = arith.constant 0 : i32
    %eq3A_0 = arith.cmpi eq, %arg0, %eq3A : i32
    %eq3A_1 = arith.constant 0 : i32
    %eq3A_2 = arith.cmpi eq, %arg1, %eq3A_1 : i32
    %and3A = arith.andi %eq3A_0, %eq3A_2 : i1
    %convert_element_type3A = arith.extui %and3A : i1 to i32
    %cond3A = arith.constant 0 : i32
    %cond3A_3 = arith.cmpi ne, %convert_element_type3A, %cond3A : i32
    scf.if %cond3A_3 {
      tpu.enqueue_dma source(%arg8 : memref<2048xf32, #tpu.memory_space<hbm>>) target(%arg19 : memref<2048xf32, #tpu.memory_space<vmem>>) target_semaphore(%arg23 : memref<!tpu.dma_semaphore, #tpu.memory_space<semaphore_mem>>)
      tpu.enqueue_dma source(%arg2 : memref<1xi32, #tpu.memory_space<hbm>>) target(%arg12 : memref<1xi32, #tpu.memory_space<vmem>>) target_semaphore(%arg24 : memref<!tpu.dma_semaphore, #tpu.memory_space<semaphore_mem>>)
      tpu.enqueue_dma source(%arg4 : memref<1xi32, #tpu.memory_space<hbm>>) target(%arg13 : memref<1xi32, #tpu.memory_space<vmem>>) target_semaphore(%arg24 : memref<!tpu.dma_semaphore, #tpu.memory_space<semaphore_mem>>)
      %dma_start3A = arith.constant 0 : i32
      %dma_start3A_4 = tpu.memref_slice %arg14[%dma_start3A] : memref<16xf32, #tpu.memory_space<vmem>> -> memref<1xf32, #tpu.memory_space<vmem>>
      %dma_start3A_5 = arith.constant 0 : i32
      %dma_start3A_6 = tpu.memref_slice %arg14[%dma_start3A_5] : memref<16xf32, #tpu.memory_space<vmem>> -> memref<1xf32, #tpu.memory_space<vmem>>
      tpu.enqueue_dma source(%arg3 : memref<1xf32, #tpu.memory_space<hbm>>) target(%dma_start3A_6 : memref<1xf32, #tpu.memory_space<vmem>>) target_semaphore(%arg24 : memref<!tpu.dma_semaphore, #tpu.memory_space<semaphore_mem>>)
      %dma_start3A_7 = arith.constant 0 : i32
      %dma_start3A_8 = tpu.memref_slice %arg20[%dma_start3A_7] : memref<16xf32, #tpu.memory_space<vmem>> -> memref<2xf32, #tpu.memory_space<vmem>>
      %dma_start3A_9 = arith.constant 0 : i32
      %dma_start3A_10 = tpu.memref_slice %arg20[%dma_start3A_9] : memref<16xf32, #tpu.memory_space<vmem>> -> memref<2xf32, #tpu.memory_space<vmem>>
      tpu.enqueue_dma source(%arg9 : memref<2xf32, #tpu.memory_space<hbm>>) target(%dma_start3A_10 : memref<2xf32, #tpu.memory_space<vmem>>) target_semaphore(%arg25 : memref<!tpu.dma_semaphore, #tpu.memory_space<semaphore_mem>>)
      tpu.wait_dma2 semaphore(%arg24 : memref<!tpu.dma_semaphore, #tpu.memory_space<semaphore_mem>>) src(%arg2 : memref<1xi32, #tpu.memory_space<hbm>>) dst(%arg12 : memref<1xi32, #tpu.memory_space<vmem>>)
      tpu.wait_dma2 semaphore(%arg24 : memref<!tpu.dma_semaphore, #tpu.memory_space<semaphore_mem>>) src(%arg4 : memref<1xi32, #tpu.memory_space<hbm>>) dst(%arg13 : memref<1xi32, #tpu.memory_space<vmem>>)
      %dma_wait3A = arith.constant 0 : i32
      %dma_wait3A_11 = tpu.memref_slice %arg14[%dma_wait3A] : memref<16xf32, #tpu.memory_space<vmem>> -> memref<1xf32, #tpu.memory_space<vmem>>
      %dma_wait3A_12 = arith.constant 0 : i32
      %dma_wait3A_13 = tpu.memref_slice %arg14[%dma_wait3A_12] : memref<16xf32, #tpu.memory_space<vmem>> -> memref<1xf32, #tpu.memory_space<vmem>>
      tpu.wait_dma2 semaphore(%arg24 : memref<!tpu.dma_semaphore, #tpu.memory_space<semaphore_mem>>) src(%arg3 : memref<1xf32, #tpu.memory_space<hbm>>) dst(%dma_wait3A_13 : memref<1xf32, #tpu.memory_space<vmem>>)
      %get3A = arith.constant 0 : index
      %get3A_14 = tpu.vector_load %arg14[%get3A] {strides = array<i32>} : memref<16xf32, #tpu.memory_space<vmem>>, vector<16xf32>,
      %add3A = arith.constant 5.000000e-01 : f32
      %add3A_15 = vector.broadcast %add3A : f32 to vector<16xf32>
      %add3A_16 = arith.addf %get3A_14, %add3A_15 : vector<16xf32>
      %convert_element_type3A_17 = arith.fptosi %add3A_16 : vector<16xf32> to vector<16xi32>
      %swap3A = arith.constant 0 : index
      %swap3A_18 = tpu.vector_load %arg15[%swap3A] {strides = array<i32>} : memref<16xi32, #tpu.memory_space<vmem>>, vector<16xi32>,
      tpu.vector_store %arg15[%swap3A], %convert_element_type3A_17 {strides = array<i32>} : memref<16xi32, #tpu.memory_space<vmem>>, vector<16xi32>,
      %dma_start3A_19 = arith.constant 0 : i32
      %dma_start3A_20 = arith.constant 0 : i32
      %dma_start3A_21 = tpu.memref_slice %arg5[%dma_start3A_19, %dma_start3A_20] : memref<31x1024xf32, #tpu.memory_space<hbm>> -> memref<31x1024xf32, #tpu.memory_space<hbm>>
      tpu.enqueue_indirect_dma source(%dma_start3A_21 : memref<31x1024xf32, #tpu.memory_space<hbm>>) target(%arg16 : memref<1x1024xf32, #tpu.memory_space<vmem>>) offsets(%arg12 : memref<1xi32, #tpu.memory_space<vmem>>) semaphore(%arg26 : memref<!tpu.dma_semaphore, #tpu.memory_space<semaphore_mem>>)
      %dma_start3A_22 = arith.constant 0 : i32
      %dma_start3A_23 = tpu.memref_slice %arg15[%dma_start3A_22] : memref<16xi32, #tpu.memory_space<vmem>> -> memref<1xi32, #tpu.memory_space<vmem>>
      %dma_start3A_24 = arith.constant 0 : i32
      %dma_start3A_25 = arith.constant 0 : i32
      %dma_start3A_26 = tpu.memref_slice %arg6[%dma_start3A_24, %dma_start3A_25] : memref<2x1024xf32, #tpu.memory_space<hbm>> -> memref<2x1024xf32, #tpu.memory_space<hbm>>
      tpu.enqueue_indirect_dma source(%dma_start3A_26 : memref<2x1024xf32, #tpu.memory_space<hbm>>) target(%arg17 : memref<1x1024xf32, #tpu.memory_space<vmem>>) offsets(%dma_start3A_23 : memref<1xi32, #tpu.memory_space<vmem>>) semaphore(%arg26 : memref<!tpu.dma_semaphore, #tpu.memory_space<semaphore_mem>>)
      %dma_start3A_27 = arith.constant 0 : i32
      %dma_start3A_28 = arith.constant 0 : i32
      %dma_start3A_29 = tpu.memref_slice %arg7[%dma_start3A_27, %dma_start3A_28] : memref<3x1024xf32, #tpu.memory_space<hbm>> -> memref<3x1024xf32, #tpu.memory_space<hbm>>
      tpu.enqueue_indirect_dma source(%dma_start3A_29 : memref<3x1024xf32, #tpu.memory_space<hbm>>) target(%arg18 : memref<1x1024xf32, #tpu.memory_space<vmem>>) offsets(%arg13 : memref<1xi32, #tpu.memory_space<vmem>>) semaphore(%arg26 : memref<!tpu.dma_semaphore, #tpu.memory_space<semaphore_mem>>)
      %dma_wait3A_30 = arith.constant 0 : i32
      %dma_wait3A_31 = arith.constant 0 : i32
      %dma_wait3A_32 = tpu.memref_slice %arg5[%dma_wait3A_30, %dma_wait3A_31] : memref<31x1024xf32, #tpu.memory_space<hbm>> -> memref<31x1024xf32, #tpu.memory_space<hbm>>
      tpu.wait_indirect_dma semaphore(%arg26 : memref<!tpu.dma_semaphore, #tpu.memory_space<semaphore_mem>>) src(%dma_wait3A_32 : memref<31x1024xf32, #tpu.memory_space<hbm>>) dst(%arg16 : memref<1x1024xf32, #tpu.memory_space<vmem>>)
      %dma_wait3A_33 = arith.constant 0 : i32
      %dma_wait3A_34 = tpu.memref_slice %arg15[%dma_wait3A_33] : memref<16xi32, #tpu.memory_space<vmem>> -> memref<1xi32, #tpu.memory_space<vmem>>
      %dma_wait3A_35 = arith.constant 0 : i32
      %dma_wait3A_36 = arith.constant 0 : i32
      %dma_wait3A_37 = tpu.memref_slice %arg6[%dma_wait3A_35, %dma_wait3A_36] : memref<2x1024xf32, #tpu.memory_space<hbm>> -> memref<2x1024xf32, #tpu.memory_space<hbm>>
      tpu.wait_indirect_dma semaphore(%arg26 : memref<!tpu.dma_semaphore, #tpu.memory_space<semaphore_mem>>) src(%dma_wait3A_37 : memref<2x1024xf32, #tpu.memory_space<hbm>>) dst(%arg17 : memref<1x1024xf32, #tpu.memory_space<vmem>>)
      %dma_wait3A_38 = arith.constant 0 : i32
      %dma_wait3A_39 = arith.constant 0 : i32
      %dma_wait3A_40 = tpu.memref_slice %arg7[%dma_wait3A_38, %dma_wait3A_39] : memref<3x1024xf32, #tpu.memory_space<hbm>> -> memref<3x1024xf32, #tpu.memory_space<hbm>>
      tpu.wait_indirect_dma semaphore(%arg26 : memref<!tpu.dma_semaphore, #tpu.memory_space<semaphore_mem>>) src(%dma_wait3A_40 : memref<3x1024xf32, #tpu.memory_space<hbm>>) dst(%arg18 : memref<1x1024xf32, #tpu.memory_space<vmem>>)
      tpu.wait_dma2 semaphore(%arg23 : memref<!tpu.dma_semaphore, #tpu.memory_space<semaphore_mem>>) src(%arg8 : memref<2048xf32, #tpu.memory_space<hbm>>) dst(%arg19 : memref<2048xf32, #tpu.memory_space<vmem>>)
      %dma_wait3A_41 = arith.constant 0 : i32
      %dma_wait3A_42 = tpu.memref_slice %arg20[%dma_wait3A_41] : memref<16xf32, #tpu.memory_space<vmem>> -> memref<2xf32, #tpu.memory_space<vmem>>
      %dma_wait3A_43 = arith.constant 0 : i32
      %dma_wait3A_44 = tpu.memref_slice %arg20[%dma_wait3A_43] : memref<16xf32, #tpu.memory_space<vmem>> -> memref<2xf32, #tpu.memory_space<vmem>>
      tpu.wait_dma2 semaphore(%arg25 : memref<!tpu.dma_semaphore, #tpu.memory_space<semaphore_mem>>) src(%arg9 : memref<2xf32, #tpu.memory_space<hbm>>) dst(%dma_wait3A_44 : memref<2xf32, #tpu.memory_space<vmem>>)
      %iota3A = tpu.iota {dimensions = array<i32: 0>} : vector<16xi32>
      %mul3A = arith.constant 2 : i32
      %mul3A_45 = vector.broadcast %mul3A : i32 to vector<16xi32>
      %mul3A_46 = arith.muli %mul3A_45, %iota3A : vector<16xi32>
      %add3A_47 = arith.constant 1 : i32
      %add3A_48 = vector.broadcast %add3A_47 : i32 to vector<16xi32>
      %add3A_49 = arith.addi %mul3A_46, %add3A_48 : vector<16xi32>
      %broadcast_in_dim3A = arith.constant 0.000000e+00 : f32
      %broadcast_in_dim3A_50 = vector.broadcast %broadcast_in_dim3A : f32 to vector<16xf32>
      %scan3A = arith.constant 0 : i32
      %scan3A_51 = arith.constant 8 : i32
      %scan3A_52 = arith.addi %scan3A, %scan3A_51 : i32
      %scan3A_53 = arith.constant 1 : i32
      %scan3A_54:16 = scf.for %scan3A_114 = %scan3A to %scan3A_52 step %scan3A_53 iter_args(%scan3A_115 = %broadcast_in_dim3A_50, %scan3A_116 = %broadcast_in_dim3A_50, %scan3A_117 = %broadcast_in_dim3A_50, %scan3A_118 = %broadcast_in_dim3A_50, %scan3A_119 = %broadcast_in_dim3A_50, %scan3A_120 = %broadcast_in_dim3A_50, %scan3A_121 = %broadcast_in_dim3A_50, %scan3A_122 = %broadcast_in_dim3A_50, %scan3A_123 = %broadcast_in_dim3A_50, %scan3A_124 = %broadcast_in_dim3A_50, %scan3A_125 = %broadcast_in_dim3A_50, %scan3A_126 = %broadcast_in_dim3A_50, %scan3A_127 = %broadcast_in_dim3A_50, %scan3A_128 = %broadcast_in_dim3A_50, %scan3A_129 = %broadcast_in_dim3A_50, %scan3A_130 = %broadcast_in_dim3A_50) -> (vector<16xf32>, vector<16xf32>, vector<16xf32>, vector<16xf32>, vector<16xf32>, vector<16xf32>, vector<16xf32>, vector<16xf32>, vector<16xf32>, vector<16xf32>, vector<16xf32>, vector<16xf32>, vector<16xf32>, vector<16xf32>, vector<16xf32>, vector<16xf32>)  : i32 {
        %mul3A_131 = arith.constant 8 : i32
        %mul3A_132 = arith.muli %scan3A_114, %mul3A_131 : i32
        %add3A_133 = arith.constant 0 : i32
        %add3A_134 = arith.addi %mul3A_132, %add3A_133 : i32
        %mul3A_135 = arith.constant 16 : i32
        %mul3A_136 = arith.muli %add3A_134, %mul3A_135 : i32
        %get3A_137 = arith.constant 0 : i32
        %get3A_138 = arith.index_cast %get3A_137 : i32 to index
        %get3A_139 = arith.index_cast %mul3A_136 : i32 to index
        %get3A_140 = tpu.vector_load %arg16[%get3A_138, %get3A_139] {strides = array<i32>} : memref<1x1024xf32, #tpu.memory_space<vmem>>, vector<16xf32>,
        %mul3A_141 = arith.constant 16 : i32
        %mul3A_142 = arith.muli %add3A_134, %mul3A_141 : i32
        %get3A_143 = arith.constant 0 : i32
        %get3A_144 = arith.index_cast %get3A_143 : i32 to index
        %get3A_145 = arith.index_cast %mul3A_142 : i32 to index
        %get3A_146 = tpu.vector_load %arg17[%get3A_144, %get3A_145] {strides = array<i32>} : memref<1x1024xf32, #tpu.memory_space<vmem>>, vector<16xf32>,
        %add3A_147 = arith.addf %get3A_140, %get3A_146 : vector<16xf32>
        %mul3A_148 = arith.constant 16 : i32
        %mul3A_149 = arith.muli %add3A_134, %mul3A_148 : i32
        %get3A_150 = arith.constant 0 : i32
        %get3A_151 = arith.index_cast %get3A_150 : i32 to index
        %get3A_152 = arith.index_cast %mul3A_149 : i32 to index
        %get3A_153 = tpu.vector_load %arg18[%get3A_151, %get3A_152] {strides = array<i32>} : memref<1x1024xf32, #tpu.memory_space<vmem>>, vector<16xf32>,
        %add3A_154 = arith.addf %add3A_147, %get3A_153 : vector<16xf32>
        %mul3A_155 = arith.constant 2 : i32
        %mul3A_156 = arith.muli %mul3A_155, %add3A_134 : i32
        %mul3A_157 = arith.constant 16 : i32
        %mul3A_158 = arith.muli %mul3A_156, %mul3A_157 : i32
        %gather3A_159 = tpu.memref_slice %arg19[%mul3A_158] : memref<2048xf32, #tpu.memory_space<vmem>> -> memref<32xf32, #tpu.memory_space<vmem>>
        %gather3A_160 = tpu.vector_load_idx %gather3A_159[%mul3A_46] : memref<32xf32, #tpu.memory_space<vmem>>[vector<16xi32>], vector<16xf32>,
        %gather3A_161 = tpu.memref_slice %arg19[%mul3A_158] : memref<2048xf32, #tpu.memory_space<vmem>> -> memref<32xf32, #tpu.memory_space<vmem>>
        %gather3A_162 = tpu.vector_load_idx %gather3A_161[%add3A_49] : memref<32xf32, #tpu.memory_space<vmem>>[vector<16xi32>], vector<16xf32>,
        %mul3A_163 = arith.mulf %add3A_154, %gather3A_160 : vector<16xf32>
        %add3A_164 = arith.addf %scan3A_115, %mul3A_163 : vector<16xf32>
        %mul3A_165 = arith.mulf %add3A_154, %gather3A_162 : vector<16xf32>
        %add3A_166 = arith.addf %scan3A_116, %mul3A_165 : vector<16xf32>
        %mul3A_167 = arith.constant 8 : i32
        %mul3A_168 = arith.muli %scan3A_114, %mul3A_167 : i32
        %add3A_169 = arith.constant 1 : i32
        %add3A_170 = arith.addi %mul3A_168, %add3A_169 : i32
        %mul3A_171 = arith.constant 16 : i32
        %mul3A_172 = arith.muli %add3A_170, %mul3A_171 : i32
        %get3A_173 = arith.constant 0 : i32
        %get3A_174 = arith.index_cast %get3A_173 : i32 to index
        %get3A_175 = arith.index_cast %mul3A_172 : i32 to index
        %get3A_176 = tpu.vector_load %arg16[%get3A_174, %get3A_175] {strides = array<i32>} : memref<1x1024xf32, #tpu.memory_space<vmem>>, vector<16xf32>,
        %mul3A_177 = arith.constant 16 : i32
        %mul3A_178 = arith.muli %add3A_170, %mul3A_177 : i32
        %get3A_179 = arith.constant 0 : i32
        %get3A_180 = arith.index_cast %get3A_179 : i32 to index
        %get3A_181 = arith.index_cast %mul3A_178 : i32 to index
        %get3A_182 = tpu.vector_load %arg17[%get3A_180, %get3A_181] {strides = array<i32>} : memref<1x1024xf32, #tpu.memory_space<vmem>>, vector<16xf32>,
        %add3A_183 = arith.addf %get3A_176, %get3A_182 : vector<16xf32>
        %mul3A_184 = arith.constant 16 : i32
        %mul3A_185 = arith.muli %add3A_170, %mul3A_184 : i32
        %get3A_186 = arith.constant 0 : i32
        %get3A_187 = arith.index_cast %get3A_186 : i32 to index
        %get3A_188 = arith.index_cast %mul3A_185 : i32 to index
        %get3A_189 = tpu.vector_load %arg18[%get3A_187, %get3A_188] {strides = array<i32>} : memref<1x1024xf32, #tpu.memory_space<vmem>>, vector<16xf32>,
        %add3A_190 = arith.addf %add3A_183, %get3A_189 : vector<16xf32>
        %mul3A_191 = arith.constant 2 : i32
        %mul3A_192 = arith.muli %mul3A_191, %add3A_170 : i32
        %mul3A_193 = arith.constant 16 : i32
        %mul3A_194 = arith.muli %mul3A_192, %mul3A_193 : i32
        %gather3A_195 = tpu.memref_slice %arg19[%mul3A_194] : memref<2048xf32, #tpu.memory_space<vmem>> -> memref<32xf32, #tpu.memory_space<vmem>>
        %gather3A_196 = tpu.vector_load_idx %gather3A_195[%mul3A_46] : memref<32xf32, #tpu.memory_space<vmem>>[vector<16xi32>], vector<16xf32>,
        %gather3A_197 = tpu.memref_slice %arg19[%mul3A_194] : memref<2048xf32, #tpu.memory_space<vmem>> -> memref<32xf32, #tpu.memory_space<vmem>>
        %gather3A_198 = tpu.vector_load_idx %gather3A_197[%add3A_49] : memref<32xf32, #tpu.memory_space<vmem>>[vector<16xi32>], vector<16xf32>,
        %mul3A_199 = arith.mulf %add3A_190, %gather3A_196 : vector<16xf32>
        %add3A_200 = arith.addf %scan3A_117, %mul3A_199 : vector<16xf32>
        %mul3A_201 = arith.mulf %add3A_190, %gather3A_198 : vector<16xf32>
        %add3A_202 = arith.addf %scan3A_118, %mul3A_201 : vector<16xf32>
        %mul3A_203 = arith.constant 8 : i32
        %mul3A_204 = arith.muli %scan3A_114, %mul3A_203 : i32
        %add3A_205 = arith.constant 2 : i32
        %add3A_206 = arith.addi %mul3A_204, %add3A_205 : i32
        %mul3A_207 = arith.constant 16 : i32
        %mul3A_208 = arith.muli %add3A_206, %mul3A_207 : i32
        %get3A_209 = arith.constant 0 : i32
        %get3A_210 = arith.index_cast %get3A_209 : i32 to index
        %get3A_211 = arith.index_cast %mul3A_208 : i32 to index
        %get3A_212 = tpu.vector_load %arg16[%get3A_210, %get3A_211] {strides = array<i32>} : memref<1x1024xf32, #tpu.memory_space<vmem>>, vector<16xf32>,
        %mul3A_213 = arith.constant 16 : i32
        %mul3A_214 = arith.muli %add3A_206, %mul3A_213 : i32
        %get3A_215 = arith.constant 0 : i32
        %get3A_216 = arith.index_cast %get3A_215 : i32 to index
        %get3A_217 = arith.index_cast %mul3A_214 : i32 to index
        %get3A_218 = tpu.vector_load %arg17[%get3A_216, %get3A_217] {strides = array<i32>} : memref<1x1024xf32, #tpu.memory_space<vmem>>, vector<16xf32>,
        %add3A_219 = arith.addf %get3A_212, %get3A_218 : vector<16xf32>
        %mul3A_220 = arith.constant 16 : i32
        %mul3A_221 = arith.muli %add3A_206, %mul3A_220 : i32
        %get3A_222 = arith.constant 0 : i32
        %get3A_223 = arith.index_cast %get3A_222 : i32 to index
        %get3A_224 = arith.index_cast %mul3A_221 : i32 to index
        %get3A_225 = tpu.vector_load %arg18[%get3A_223, %get3A_224] {strides = array<i32>} : memref<1x1024xf32, #tpu.memory_space<vmem>>, vector<16xf32>,
        %add3A_226 = arith.addf %add3A_219, %get3A_225 : vector<16xf32>
        %mul3A_227 = arith.constant 2 : i32
        %mul3A_228 = arith.muli %mul3A_227, %add3A_206 : i32
        %mul3A_229 = arith.constant 16 : i32
        %mul3A_230 = arith.muli %mul3A_228, %mul3A_229 : i32
        %gather3A_231 = tpu.memref_slice %arg19[%mul3A_230] : memref<2048xf32, #tpu.memory_space<vmem>> -> memref<32xf32, #tpu.memory_space<vmem>>
        %gather3A_232 = tpu.vector_load_idx %gather3A_231[%mul3A_46] : memref<32xf32, #tpu.memory_space<vmem>>[vector<16xi32>], vector<16xf32>,
        %gather3A_233 = tpu.memref_slice %arg19[%mul3A_230] : memref<2048xf32, #tpu.memory_space<vmem>> -> memref<32xf32, #tpu.memory_space<vmem>>
        %gather3A_234 = tpu.vector_load_idx %gather3A_233[%add3A_49] : memref<32xf32, #tpu.memory_space<vmem>>[vector<16xi32>], vector<16xf32>,
        %mul3A_235 = arith.mulf %add3A_226, %gather3A_232 : vector<16xf32>
        %add3A_236 = arith.addf %scan3A_119, %mul3A_235 : vector<16xf32>
        %mul3A_237 = arith.mulf %add3A_226, %gather3A_234 : vector<16xf32>
        %add3A_238 = arith.addf %scan3A_120, %mul3A_237 : vector<16xf32>
        %mul3A_239 = arith.constant 8 : i32
        %mul3A_240 = arith.muli %scan3A_114, %mul3A_239 : i32
        %add3A_241 = arith.constant 3 : i32
        %add3A_242 = arith.addi %mul3A_240, %add3A_241 : i32
        %mul3A_243 = arith.constant 16 : i32
        %mul3A_244 = arith.muli %add3A_242, %mul3A_243 : i32
        %get3A_245 = arith.constant 0 : i32
        %get3A_246 = arith.index_cast %get3A_245 : i32 to index
        %get3A_247 = arith.index_cast %mul3A_244 : i32 to index
        %get3A_248 = tpu.vector_load %arg16[%get3A_246, %get3A_247] {strides = array<i32>} : memref<1x1024xf32, #tpu.memory_space<vmem>>, vector<16xf32>,
        %mul3A_249 = arith.constant 16 : i32
        %mul3A_250 = arith.muli %add3A_242, %mul3A_249 : i32
        %get3A_251 = arith.constant 0 : i32
        %get3A_252 = arith.index_cast %get3A_251 : i32 to index
        %get3A_253 = arith.index_cast %mul3A_250 : i32 to index
        %get3A_254 = tpu.vector_load %arg17[%get3A_252, %get3A_253] {strides = array<i32>} : memref<1x1024xf32, #tpu.memory_space<vmem>>, vector<16xf32>,
        %add3A_255 = arith.addf %get3A_248, %get3A_254 : vector<16xf32>
        %mul3A_256 = arith.constant 16 : i32
        %mul3A_257 = arith.muli %add3A_242, %mul3A_256 : i32
        %get3A_258 = arith.constant 0 : i32
        %get3A_259 = arith.index_cast %get3A_258 : i32 to index
        %get3A_260 = arith.index_cast %mul3A_257 : i32 to index
        %get3A_261 = tpu.vector_load %arg18[%get3A_259, %get3A_260] {strides = array<i32>} : memref<1x1024xf32, #tpu.memory_space<vmem>>, vector<16xf32>,
        %add3A_262 = arith.addf %add3A_255, %get3A_261 : vector<16xf32>
        %mul3A_263 = arith.constant 2 : i32
        %mul3A_264 = arith.muli %mul3A_263, %add3A_242 : i32
        %mul3A_265 = arith.constant 16 : i32
        %mul3A_266 = arith.muli %mul3A_264, %mul3A_265 : i32
        %gather3A_267 = tpu.memref_slice %arg19[%mul3A_266] : memref<2048xf32, #tpu.memory_space<vmem>> -> memref<32xf32, #tpu.memory_space<vmem>>
        %gather3A_268 = tpu.vector_load_idx %gather3A_267[%mul3A_46] : memref<32xf32, #tpu.memory_space<vmem>>[vector<16xi32>], vector<16xf32>,
        %gather3A_269 = tpu.memref_slice %arg19[%mul3A_266] : memref<2048xf32, #tpu.memory_space<vmem>> -> memref<32xf32, #tpu.memory_space<vmem>>
        %gather3A_270 = tpu.vector_load_idx %gather3A_269[%add3A_49] : memref<32xf32, #tpu.memory_space<vmem>>[vector<16xi32>], vector<16xf32>,
        %mul3A_271 = arith.mulf %add3A_262, %gather3A_268 : vector<16xf32>
        %add3A_272 = arith.addf %scan3A_121, %mul3A_271 : vector<16xf32>
        %mul3A_273 = arith.mulf %add3A_262, %gather3A_270 : vector<16xf32>
        %add3A_274 = arith.addf %scan3A_122, %mul3A_273 : vector<16xf32>
        %mul3A_275 = arith.constant 8 : i32
        %mul3A_276 = arith.muli %scan3A_114, %mul3A_275 : i32
        %add3A_277 = arith.constant 4 : i32
        %add3A_278 = arith.addi %mul3A_276, %add3A_277 : i32
        %mul3A_279 = arith.constant 16 : i32
        %mul3A_280 = arith.muli %add3A_278, %mul3A_279 : i32
        %get3A_281 = arith.constant 0 : i32
        %get3A_282 = arith.index_cast %get3A_281 : i32 to index
        %get3A_283 = arith.index_cast %mul3A_280 : i32 to index
        %get3A_284 = tpu.vector_load %arg16[%get3A_282, %get3A_283] {strides = array<i32>} : memref<1x1024xf32, #tpu.memory_space<vmem>>, vector<16xf32>,
        %mul3A_285 = arith.constant 16 : i32
        %mul3A_286 = arith.muli %add3A_278, %mul3A_285 : i32
        %get3A_287 = arith.constant 0 : i32
        %get3A_288 = arith.index_cast %get3A_287 : i32 to index
        %get3A_289 = arith.index_cast %mul3A_286 : i32 to index
        %get3A_290 = tpu.vector_load %arg17[%get3A_288, %get3A_289] {strides = array<i32>} : memref<1x1024xf32, #tpu.memory_space<vmem>>, vector<16xf32>,
        %add3A_291 = arith.addf %get3A_284, %get3A_290 : vector<16xf32>
        %mul3A_292 = arith.constant 16 : i32
        %mul3A_293 = arith.muli %add3A_278, %mul3A_292 : i32
        %get3A_294 = arith.constant 0 : i32
        %get3A_295 = arith.index_cast %get3A_294 : i32 to index
        %get3A_296 = arith.index_cast %mul3A_293 : i32 to index
        %get3A_297 = tpu.vector_load %arg18[%get3A_295, %get3A_296] {strides = array<i32>} : memref<1x1024xf32, #tpu.memory_space<vmem>>, vector<16xf32>,
        %add3A_298 = arith.addf %add3A_291, %get3A_297 : vector<16xf32>
        %mul3A_299 = arith.constant 2 : i32
        %mul3A_300 = arith.muli %mul3A_299, %add3A_278 : i32
        %mul3A_301 = arith.constant 16 : i32
        %mul3A_302 = arith.muli %mul3A_300, %mul3A_301 : i32
        %gather3A_303 = tpu.memref_slice %arg19[%mul3A_302] : memref<2048xf32, #tpu.memory_space<vmem>> -> memref<32xf32, #tpu.memory_space<vmem>>
        %gather3A_304 = tpu.vector_load_idx %gather3A_303[%mul3A_46] : memref<32xf32, #tpu.memory_space<vmem>>[vector<16xi32>], vector<16xf32>,
        %gather3A_305 = tpu.memref_slice %arg19[%mul3A_302] : memref<2048xf32, #tpu.memory_space<vmem>> -> memref<32xf32, #tpu.memory_space<vmem>>
        %gather3A_306 = tpu.vector_load_idx %gather3A_305[%add3A_49] : memref<32xf32, #tpu.memory_space<vmem>>[vector<16xi32>], vector<16xf32>,
        %mul3A_307 = arith.mulf %add3A_298, %gather3A_304 : vector<16xf32>
        %add3A_308 = arith.addf %scan3A_123, %mul3A_307 : vector<16xf32>
        %mul3A_309 = arith.mulf %add3A_298, %gather3A_306 : vector<16xf32>
        %add3A_310 = arith.addf %scan3A_124, %mul3A_309 : vector<16xf32>
        %mul3A_311 = arith.constant 8 : i32
        %mul3A_312 = arith.muli %scan3A_114, %mul3A_311 : i32
        %add3A_313 = arith.constant 5 : i32
        %add3A_314 = arith.addi %mul3A_312, %add3A_313 : i32
        %mul3A_315 = arith.constant 16 : i32
        %mul3A_316 = arith.muli %add3A_314, %mul3A_315 : i32
        %get3A_317 = arith.constant 0 : i32
        %get3A_318 = arith.index_cast %get3A_317 : i32 to index
        %get3A_319 = arith.index_cast %mul3A_316 : i32 to index
        %get3A_320 = tpu.vector_load %arg16[%get3A_318, %get3A_319] {strides = array<i32>} : memref<1x1024xf32, #tpu.memory_space<vmem>>, vector<16xf32>,
        %mul3A_321 = arith.constant 16 : i32
        %mul3A_322 = arith.muli %add3A_314, %mul3A_321 : i32
        %get3A_323 = arith.constant 0 : i32
        %get3A_324 = arith.index_cast %get3A_323 : i32 to index
        %get3A_325 = arith.index_cast %mul3A_322 : i32 to index
        %get3A_326 = tpu.vector_load %arg17[%get3A_324, %get3A_325] {strides = array<i32>} : memref<1x1024xf32, #tpu.memory_space<vmem>>, vector<16xf32>,
        %add3A_327 = arith.addf %get3A_320, %get3A_326 : vector<16xf32>
        %mul3A_328 = arith.constant 16 : i32
        %mul3A_329 = arith.muli %add3A_314, %mul3A_328 : i32
        %get3A_330 = arith.constant 0 : i32
        %get3A_331 = arith.index_cast %get3A_330 : i32 to index
        %get3A_332 = arith.index_cast %mul3A_329 : i32 to index
        %get3A_333 = tpu.vector_load %arg18[%get3A_331, %get3A_332] {strides = array<i32>} : memref<1x1024xf32, #tpu.memory_space<vmem>>, vector<16xf32>,
        %add3A_334 = arith.addf %add3A_327, %get3A_333 : vector<16xf32>
        %mul3A_335 = arith.constant 2 : i32
        %mul3A_336 = arith.muli %mul3A_335, %add3A_314 : i32
        %mul3A_337 = arith.constant 16 : i32
        %mul3A_338 = arith.muli %mul3A_336, %mul3A_337 : i32
        %gather3A_339 = tpu.memref_slice %arg19[%mul3A_338] : memref<2048xf32, #tpu.memory_space<vmem>> -> memref<32xf32, #tpu.memory_space<vmem>>
        %gather3A_340 = tpu.vector_load_idx %gather3A_339[%mul3A_46] : memref<32xf32, #tpu.memory_space<vmem>>[vector<16xi32>], vector<16xf32>,
        %gather3A_341 = tpu.memref_slice %arg19[%mul3A_338] : memref<2048xf32, #tpu.memory_space<vmem>> -> memref<32xf32, #tpu.memory_space<vmem>>
        %gather3A_342 = tpu.vector_load_idx %gather3A_341[%add3A_49] : memref<32xf32, #tpu.memory_space<vmem>>[vector<16xi32>], vector<16xf32>,
        %mul3A_343 = arith.mulf %add3A_334, %gather3A_340 : vector<16xf32>
        %add3A_344 = arith.addf %scan3A_125, %mul3A_343 : vector<16xf32>
        %mul3A_345 = arith.mulf %add3A_334, %gather3A_342 : vector<16xf32>
        %add3A_346 = arith.addf %scan3A_126, %mul3A_345 : vector<16xf32>
        %mul3A_347 = arith.constant 8 : i32
        %mul3A_348 = arith.muli %scan3A_114, %mul3A_347 : i32
        %add3A_349 = arith.constant 6 : i32
        %add3A_350 = arith.addi %mul3A_348, %add3A_349 : i32
        %mul3A_351 = arith.constant 16 : i32
        %mul3A_352 = arith.muli %add3A_350, %mul3A_351 : i32
        %get3A_353 = arith.constant 0 : i32
        %get3A_354 = arith.index_cast %get3A_353 : i32 to index
        %get3A_355 = arith.index_cast %mul3A_352 : i32 to index
        %get3A_356 = tpu.vector_load %arg16[%get3A_354, %get3A_355] {strides = array<i32>} : memref<1x1024xf32, #tpu.memory_space<vmem>>, vector<16xf32>,
        %mul3A_357 = arith.constant 16 : i32
        %mul3A_358 = arith.muli %add3A_350, %mul3A_357 : i32
        %get3A_359 = arith.constant 0 : i32
        %get3A_360 = arith.index_cast %get3A_359 : i32 to index
        %get3A_361 = arith.index_cast %mul3A_358 : i32 to index
        %get3A_362 = tpu.vector_load %arg17[%get3A_360, %get3A_361] {strides = array<i32>} : memref<1x1024xf32, #tpu.memory_space<vmem>>, vector<16xf32>,
        %add3A_363 = arith.addf %get3A_356, %get3A_362 : vector<16xf32>
        %mul3A_364 = arith.constant 16 : i32
        %mul3A_365 = arith.muli %add3A_350, %mul3A_364 : i32
        %get3A_366 = arith.constant 0 : i32
        %get3A_367 = arith.index_cast %get3A_366 : i32 to index
        %get3A_368 = arith.index_cast %mul3A_365 : i32 to index
        %get3A_369 = tpu.vector_load %arg18[%get3A_367, %get3A_368] {strides = array<i32>} : memref<1x1024xf32, #tpu.memory_space<vmem>>, vector<16xf32>,
        %add3A_370 = arith.addf %add3A_363, %get3A_369 : vector<16xf32>
        %mul3A_371 = arith.constant 2 : i32
        %mul3A_372 = arith.muli %mul3A_371, %add3A_350 : i32
        %mul3A_373 = arith.constant 16 : i32
        %mul3A_374 = arith.muli %mul3A_372, %mul3A_373 : i32
        %gather3A_375 = tpu.memref_slice %arg19[%mul3A_374] : memref<2048xf32, #tpu.memory_space<vmem>> -> memref<32xf32, #tpu.memory_space<vmem>>
        %gather3A_376 = tpu.vector_load_idx %gather3A_375[%mul3A_46] : memref<32xf32, #tpu.memory_space<vmem>>[vector<16xi32>], vector<16xf32>,
        %gather3A_377 = tpu.memref_slice %arg19[%mul3A_374] : memref<2048xf32, #tpu.memory_space<vmem>> -> memref<32xf32, #tpu.memory_space<vmem>>
        %gather3A_378 = tpu.vector_load_idx %gather3A_377[%add3A_49] : memref<32xf32, #tpu.memory_space<vmem>>[vector<16xi32>], vector<16xf32>,
        %mul3A_379 = arith.mulf %add3A_370, %gather3A_376 : vector<16xf32>
        %add3A_380 = arith.addf %scan3A_127, %mul3A_379 : vector<16xf32>
        %mul3A_381 = arith.mulf %add3A_370, %gather3A_378 : vector<16xf32>
        %add3A_382 = arith.addf %scan3A_128, %mul3A_381 : vector<16xf32>
        %mul3A_383 = arith.constant 8 : i32
        %mul3A_384 = arith.muli %scan3A_114, %mul3A_383 : i32
        %add3A_385 = arith.constant 7 : i32
        %add3A_386 = arith.addi %mul3A_384, %add3A_385 : i32
        %mul3A_387 = arith.constant 16 : i32
        %mul3A_388 = arith.muli %add3A_386, %mul3A_387 : i32
        %get3A_389 = arith.constant 0 : i32
        %get3A_390 = arith.index_cast %get3A_389 : i32 to index
        %get3A_391 = arith.index_cast %mul3A_388 : i32 to index
        %get3A_392 = tpu.vector_load %arg16[%get3A_390, %get3A_391] {strides = array<i32>} : memref<1x1024xf32, #tpu.memory_space<vmem>>, vector<16xf32>,
        %mul3A_393 = arith.constant 16 : i32
        %mul3A_394 = arith.muli %add3A_386, %mul3A_393 : i32
        %get3A_395 = arith.constant 0 : i32
        %get3A_396 = arith.index_cast %get3A_395 : i32 to index
        %get3A_397 = arith.index_cast %mul3A_394 : i32 to index
        %get3A_398 = tpu.vector_load %arg17[%get3A_396, %get3A_397] {strides = array<i32>} : memref<1x1024xf32, #tpu.memory_space<vmem>>, vector<16xf32>,
        %add3A_399 = arith.addf %get3A_392, %get3A_398 : vector<16xf32>
        %mul3A_400 = arith.constant 16 : i32
        %mul3A_401 = arith.muli %add3A_386, %mul3A_400 : i32
        %get3A_402 = arith.constant 0 : i32
        %get3A_403 = arith.index_cast %get3A_402 : i32 to index
        %get3A_404 = arith.index_cast %mul3A_401 : i32 to index
        %get3A_405 = tpu.vector_load %arg18[%get3A_403, %get3A_404] {strides = array<i32>} : memref<1x1024xf32, #tpu.memory_space<vmem>>, vector<16xf32>,
        %add3A_406 = arith.addf %add3A_399, %get3A_405 : vector<16xf32>
        %mul3A_407 = arith.constant 2 : i32
        %mul3A_408 = arith.muli %mul3A_407, %add3A_386 : i32
        %mul3A_409 = arith.constant 16 : i32
        %mul3A_410 = arith.muli %mul3A_408, %mul3A_409 : i32
        %gather3A_411 = tpu.memref_slice %arg19[%mul3A_410] : memref<2048xf32, #tpu.memory_space<vmem>> -> memref<32xf32, #tpu.memory_space<vmem>>
        %gather3A_412 = tpu.vector_load_idx %gather3A_411[%mul3A_46] : memref<32xf32, #tpu.memory_space<vmem>>[vector<16xi32>], vector<16xf32>,
        %gather3A_413 = tpu.memref_slice %arg19[%mul3A_410] : memref<2048xf32, #tpu.memory_space<vmem>> -> memref<32xf32, #tpu.memory_space<vmem>>
        %gather3A_414 = tpu.vector_load_idx %gather3A_413[%add3A_49] : memref<32xf32, #tpu.memory_space<vmem>>[vector<16xi32>], vector<16xf32>,
        %mul3A_415 = arith.mulf %add3A_406, %gather3A_412 : vector<16xf32>
        %add3A_416 = arith.addf %scan3A_129, %mul3A_415 : vector<16xf32>
        %mul3A_417 = arith.mulf %add3A_406, %gather3A_414 : vector<16xf32>
        %add3A_418 = arith.addf %scan3A_130, %mul3A_417 : vector<16xf32>
        scf.yield %add3A_164, %add3A_166, %add3A_200, %add3A_202, %add3A_236, %add3A_238, %add3A_272, %add3A_274, %add3A_308, %add3A_310, %add3A_344, %add3A_346, %add3A_380, %add3A_382, %add3A_416, %add3A_418 : vector<16xf32>, vector<16xf32>, vector<16xf32>, vector<16xf32>, vector<16xf32>, vector<16xf32>, vector<16xf32>, vector<16xf32>, vector<16xf32>, vector<16xf32>, vector<16xf32>, vector<16xf32>, vector<16xf32>, vector<16xf32>, vector<16xf32>, vector<16xf32>
      }
      %scan3A_55 = arith.constant 8 : i32
      %add3A_56 = arith.constant 0.000000e+00 : f32
      %add3A_57 = vector.broadcast %add3A_56 : f32 to vector<16xf32>
      %add3A_58 = arith.addf %add3A_57, %scan3A_54#0 : vector<16xf32>
      %add3A_59 = arith.addf %add3A_58, %scan3A_54#2 : vector<16xf32>
      %add3A_60 = arith.addf %add3A_59, %scan3A_54#4 : vector<16xf32>
      %add3A_61 = arith.addf %add3A_60, %scan3A_54#6 : vector<16xf32>
      %add3A_62 = arith.addf %add3A_61, %scan3A_54#8 : vector<16xf32>
      %add3A_63 = arith.addf %add3A_62, %scan3A_54#10 : vector<16xf32>
      %add3A_64 = arith.addf %add3A_63, %scan3A_54#12 : vector<16xf32>
      %add3A_65 = arith.addf %add3A_64, %scan3A_54#14 : vector<16xf32>
      %reduce_sum3A = arith.constant true
      %reduce_sum3A_66 = vector.broadcast %reduce_sum3A : i1 to vector<16xi1>
      %reduce_sum3A_67 = tpu.scan <sum>, %add3A_65 masked %reduce_sum3A_66 : vector<16xf32>, vector<16xi1> -> vector<16xf32>
      %reduce_sum3A_68 = vector.extract %reduce_sum3A_67[15] : f32 from vector<16xf32>
      %add3A_69 = arith.constant 0.000000e+00 : f32
      %add3A_70 = vector.broadcast %add3A_69 : f32 to vector<16xf32>
      %add3A_71 = arith.addf %add3A_70, %scan3A_54#1 : vector<16xf32>
      %add3A_72 = arith.addf %add3A_71, %scan3A_54#3 : vector<16xf32>
      %add3A_73 = arith.addf %add3A_72, %scan3A_54#5 : vector<16xf32>
      %add3A_74 = arith.addf %add3A_73, %scan3A_54#7 : vector<16xf32>
      %add3A_75 = arith.addf %add3A_74, %scan3A_54#9 : vector<16xf32>
      %add3A_76 = arith.addf %add3A_75, %scan3A_54#11 : vector<16xf32>
      %add3A_77 = arith.addf %add3A_76, %scan3A_54#13 : vector<16xf32>
      %add3A_78 = arith.addf %add3A_77, %scan3A_54#15 : vector<16xf32>
      %reduce_sum3A_79 = arith.constant true
      %reduce_sum3A_80 = vector.broadcast %reduce_sum3A_79 : i1 to vector<16xi1>
      %reduce_sum3A_81 = tpu.scan <sum>, %add3A_78 masked %reduce_sum3A_80 : vector<16xf32>, vector<16xi1> -> vector<16xf32>
      %reduce_sum3A_82 = vector.extract %reduce_sum3A_81[15] : f32 from vector<16xf32>
      %broadcast_in_dim3A_83 = arith.constant 0 : i32
      %broadcast_in_dim3A_84 = vector.broadcast %broadcast_in_dim3A_83 : i32 to vector<16xi32>
      %gather3A = tpu.vector_load_idx %arg20[%broadcast_in_dim3A_84] : memref<16xf32, #tpu.memory_space<vmem>>[vector<16xi32>], vector<16xf32>,
      %add3A_85 = arith.constant 1 : i32
      %add3A_86 = vector.broadcast %add3A_85 : i32 to vector<16xi32>
      %add3A_87 = arith.addi %broadcast_in_dim3A_84, %add3A_86 : vector<16xi32>
      %gather3A_88 = tpu.vector_load_idx %arg20[%add3A_87] : memref<16xf32, #tpu.memory_space<vmem>>[vector<16xi32>], vector<16xf32>,
      %add3A_89 = vector.broadcast %reduce_sum3A_68 : f32 to vector<16xf32>
      %add3A_90 = arith.addf %add3A_89, %gather3A : vector<16xf32>
      %add3A_91 = vector.broadcast %reduce_sum3A_82 : f32 to vector<16xf32>
      %add3A_92 = arith.addf %add3A_91, %gather3A_88 : vector<16xf32>
      %neg3A = arith.constant 0.000000e+00 : f32
      %neg3A_93 = vector.broadcast %neg3A : f32 to vector<16xf32>
      %neg3A_94 = arith.subf %neg3A_93, %add3A_90 : vector<16xf32>
      %exp3A = math.exp %neg3A_94 : vector<16xf32>
      %add3A_95 = arith.constant 1.000000e+00 : f32
      %add3A_96 = vector.broadcast %add3A_95 : f32 to vector<16xf32>
      %add3A_97 = arith.addf %add3A_96, %exp3A : vector<16xf32>
      %div3A = arith.constant 1.000000e+00 : f32
      %div3A_98 = vector.broadcast %div3A : f32 to vector<16xf32>
      %div3A_99 = arith.divf %div3A_98, %add3A_97 : vector<16xf32>
      %swap3A_100 = arith.constant 0 : index
      %swap3A_101 = tpu.vector_load %arg21[%swap3A_100] {strides = array<i32>} : memref<16xf32, #tpu.memory_space<vmem>>, vector<16xf32>,
      tpu.vector_store %arg21[%swap3A_100], %div3A_99 {strides = array<i32>} : memref<16xf32, #tpu.memory_space<vmem>>, vector<16xf32>,
      %neg3A_102 = arith.constant 0.000000e+00 : f32
      %neg3A_103 = vector.broadcast %neg3A_102 : f32 to vector<16xf32>
      %neg3A_104 = arith.subf %neg3A_103, %add3A_92 : vector<16xf32>
      %exp3A_105 = math.exp %neg3A_104 : vector<16xf32>
      %add3A_106 = arith.constant 1.000000e+00 : f32
      %add3A_107 = vector.broadcast %add3A_106 : f32 to vector<16xf32>
      %add3A_108 = arith.addf %add3A_107, %exp3A_105 : vector<16xf32>
      %div3A_109 = arith.constant 1.000000e+00 : f32
      %div3A_110 = vector.broadcast %div3A_109 : f32 to vector<16xf32>
      %div3A_111 = arith.divf %div3A_110, %add3A_108 : vector<16xf32>
      %swap3A_112 = arith.constant 0 : index
      %swap3A_113 = tpu.vector_load %arg22[%swap3A_112] {strides = array<i32>} : memref<16xf32, #tpu.memory_space<vmem>>, vector<16xf32>,
      tpu.vector_store %arg22[%swap3A_112], %div3A_111 {strides = array<i32>} : memref<16xf32, #tpu.memory_space<vmem>>, vector<16xf32>,
      "tpu.region"() ({
        %run_scoped3A = tpu.sem_alloc : memref<!tpu.dma_semaphore, #tpu.memory_space<semaphore_mem>>
        %dma_start3A_114 = arith.constant 0 : i32
        %dma_start3A_115 = tpu.memref_slice %arg21[%dma_start3A_114] : memref<16xf32, #tpu.memory_space<vmem>> -> memref<1xf32, #tpu.memory_space<vmem>>
        %dma_start3A_116 = arith.constant 0 : i32
        %dma_start3A_117 = tpu.memref_slice %arg21[%dma_start3A_116] : memref<16xf32, #tpu.memory_space<vmem>> -> memref<1xf32, #tpu.memory_space<vmem>>
        tpu.enqueue_dma source(%dma_start3A_117 : memref<1xf32, #tpu.memory_space<vmem>>) target(%arg10 : memref<1xf32, #tpu.memory_space<hbm>>) target_semaphore(%run_scoped3A : memref<!tpu.dma_semaphore, #tpu.memory_space<semaphore_mem>>)
        %dma_wait3A_118 = arith.constant 0 : i32
        %dma_wait3A_119 = tpu.memref_slice %arg21[%dma_wait3A_118] : memref<16xf32, #tpu.memory_space<vmem>> -> memref<1xf32, #tpu.memory_space<vmem>>
        %dma_wait3A_120 = arith.constant 0 : i32
        %dma_wait3A_121 = tpu.memref_slice %arg21[%dma_wait3A_120] : memref<16xf32, #tpu.memory_space<vmem>> -> memref<1xf32, #tpu.memory_space<vmem>>
        tpu.wait_dma2 semaphore(%run_scoped3A : memref<!tpu.dma_semaphore, #tpu.memory_space<semaphore_mem>>) src(%dma_wait3A_121 : memref<1xf32, #tpu.memory_space<vmem>>) dst(%arg10 : memref<1xf32, #tpu.memory_space<hbm>>)
        tpu.yield
      }) : () -> ()
      "tpu.region"() ({
        %run_scoped3A = tpu.sem_alloc : memref<!tpu.dma_semaphore, #tpu.memory_space<semaphore_mem>>
        %dma_start3A_114 = arith.constant 0 : i32
        %dma_start3A_115 = tpu.memref_slice %arg22[%dma_start3A_114] : memref<16xf32, #tpu.memory_space<vmem>> -> memref<1xf32, #tpu.memory_space<vmem>>
        %dma_start3A_116 = arith.constant 0 : i32
        %dma_start3A_117 = tpu.memref_slice %arg22[%dma_start3A_116] : memref<16xf32, #tpu.memory_space<vmem>> -> memref<1xf32, #tpu.memory_space<vmem>>
        tpu.enqueue_dma source(%dma_start3A_117 : memref<1xf32, #tpu.memory_space<vmem>>) target(%arg11 : memref<1xf32, #tpu.memory_space<hbm>>) target_semaphore(%run_scoped3A : memref<!tpu.dma_semaphore, #tpu.memory_space<semaphore_mem>>)
        %dma_wait3A_118 = arith.constant 0 : i32
        %dma_wait3A_119 = tpu.memref_slice %arg22[%dma_wait3A_118] : memref<16xf32, #tpu.memory_space<vmem>> -> memref<1xf32, #tpu.memory_space<vmem>>
        %dma_wait3A_120 = arith.constant 0 : i32
        %dma_wait3A_121 = tpu.memref_slice %arg22[%dma_wait3A_120] : memref<16xf32, #tpu.memory_space<vmem>> -> memref<1xf32, #tpu.memory_space<vmem>>
        tpu.wait_dma2 semaphore(%run_scoped3A : memref<!tpu.dma_semaphore, #tpu.memory_space<semaphore_mem>>) src(%dma_wait3A_121 : memref<1xf32, #tpu.memory_space<vmem>>) dst(%arg11 : memref<1xf32, #tpu.memory_space<hbm>>)
        tpu.yield
      }) : () -> ()
    } else {
    }
    return
  }
}

</mosaic_0001>

<sc_bundles>
// kernel: _run.3.cloned.1.call-start
scs
__scs_entry_jumppad:
0x0: {  	(pc) =	sbr.rel $0x88, $3  }
0x1: {  	(tag) =	ssettag $0x0;
	lr =	simm.s32 $0x1  }
0x2: {  	[smem:$0x3F99] =	sst lr;
	_ =	strace $0xD0000000  }
0x3: {  	_ = 	snop  }
0x4: {  	_ = 	snop  }
0x5: {  	_ = 	snop  }
0x6: {  	_ = 	snop  }
0x7: {  	_ = 	snop  }
__scs_overlays_trampoline_lowered:
0x8: {  	[smem:$0x3FA8] =	sst s0  }
0x9: {  	[smem:$0x3FA9] =	sst s1  }
0xa: {  	[smem:$0x3FAA] =	sst s2  }
0xb: {  	[smem:$0x3FAB] =	sst s3  }
0xc: {  	[smem:$0x3FAC] =	sst s4  }
0xd: {  	[smem:$0x3FAD] =	sst s5  }
0xe: {  	[smem:$0x3FAE] =	sst s6  }
0xf: {  	[smem:$0x3FAF] =	sst s7  }
0x10: {  	[smem:$0x3FB0] =	sst s8  }
0x11: {  	[smem:$0x3FB1] =	sst s9;
	s0 =	simm.s32 @!p0 $0x0  }
0x12: {  	s1 =	sld [smem:$0x3F97];
	s0 =	simm.s32 @p0 $0x1  }
0x13: {  	[smem:$0x3FB2] =	sst s0;
	s0 =	simm.s32 @!p1 $0x0  }
0x14: {  	s2 =	sld [smem:$0x3F96];
	s0 =	simm.s32 @p1 $0x1  }
0x15: {  	[smem:$0x3FB3] =	sst s0;
	s0 =	simm.s32 @!p2 $0x0  }
0x16: {  	s3 =	sld [smem:$0x3FDB];
	s0 =	simm.s32 @p2 $0x1  }
0x17: {  	s4 =	simm.s32 $0x1BF5;
	[smem:$0x3FB5] =	sst s0  }
0x18: {  	s0 =	sld [smem:$0x3F98];
	_ =	swait.ge [sflag:s4], $0x0  }
0x19: {  	s7 =	sld [smem:$0x3F99]  }
0x1a: {  	s8 =	sadd.s32 $0xFFFFE003, lr  }
0x1b: {  	s9 =	sadd.s32 $0xFFFFFEF7, lr;
	s5 =	simm.s32 $0xFFFFFFFF;
	p2 =	slt.u32 s8, $0xFFFFF086  }
0x1c: {  	p1 =	slt.u32 s9, $0xF7A;
	s5 =	simm.s32 @!p2 $0x0  }
0x1d: {  	s5 =	simm.s32 @p1 $0x1;
	p0 =	seq.s32 s7, s2  }
0x1e: {  	s7 =	smul.u32 @!p0 $0xF7A, s2;
	p2 =	seq.s32 @!p0 s5, $0x0  }
0x1f: {  	s9 =	smul.u32 $0xF7A, s1;
	s8 =	simm.s32 @!p0 $0x1BF5;
	p2 =	por !p2, p0  }
0x20: {  	[sflag:s8] =	ssyncset.s32 @!p0 $0xFFFFF086;
	s6 =	sadd.s32 @!p0 s3, s7;
	s7 =	simm.s32 @!p0 $0x108  }
0x21: {  	s3 =	sadd.s32 s3, s9;
	s6 =	sadd.s32 @!p0 $0x88, s6;
	s7 =	simm.s32 @p2 $0x1082  }
0x22: {  	[simem:s7], [sflag:s8] =	dma.local @!p0 [hbm:s6], $0xF7A  }
0x23: {  	s9 =	sor.u32 $0xD0000000, s2;
	s6 =	simm.s32 $0x108;
	_ =	swait.ge @!p0 [sflag:s8], $0x0  }
0x24: {  	s3 =	sadd.s32 $0x88, s3;
	s6 =	simm.s32 @!p1 $0x1082;
	[sflag:s4] =	ssyncset.s32 $0xFFFFF086  }
0x25: {  	[simem:s6], [sflag:s4] =	dma.local [hbm:s3], $0xF7A  }
0x26: {  	[smem:$0x3F99] =	sst s1;
	(tag) =	ssettag s2;
	_ =	strace s9  }
0x27: {  	s1 =	sld [smem:$0x3FA9]  }
0x28: {  	s2 =	sld [smem:$0x3FAA]  }
0x29: {  	s4 =	sld [smem:$0x3FAC]  }
0x2a: {  	p0 =	seq.s32 s5, $0x0;
	s5 =	sld [smem:$0x3FAD]  }
0x2b: {  	s6 =	sld [smem:$0x3FAE]  }
0x2c: {  	s7 =	sld [smem:$0x3FAF]  }
0x2d: {  	s3 =	simm.s32 $0x108;
	s8 =	sld [smem:$0x3FB0]  }
0x2e: {  	s3 =	simm.s32 @!p0 $0x1082;
	s9 =	sld [smem:$0x3FB1]  }
0x2f: {  	lr =	sadd.s32 s0, s3;
	s0 =	sld [smem:$0x3FA8]  }
0x30: {  	s3 =	sld [smem:$0x3FAB]  }
0x31: {  	[smem:$0x3FB4] =	sst s10  }
0x32: {  	s10 =	sld [smem:$0x3FB2];
	_ =	sdelay $0x3  }
0x33: {  	p0 =	seq.s32 s10, $0x1;
	s10 =	sld [smem:$0x3FB4];
	_ =	sdelay $0x3  }
0x34: {  	[smem:$0x3FB4] =	sst s10  }
0x35: {  	s10 =	sld [smem:$0x3FB3];
	_ =	sdelay $0x3  }
0x36: {  	p1 =	seq.s32 s10, $0x1;
	s10 =	sld [smem:$0x3FB4];
	_ =	sdelay $0x3  }
0x37: {  	[smem:$0x3FB4] =	sst s10  }
0x38: {  	s10 =	sld [smem:$0x3FB5]  }
0x39: {  	_ = 	snop;
	(pc) =	sbr.ind lr, $3  }
0x3a: {  	_ = 	snop  }
0x3b: {  	_ = 	snop  }
0x3c: {  	p2 =	seq.s32 s10, $0x1;
	s10 =	sld [smem:$0x3FB4]  }
0x3d: {  	_ =	shalt  }
0x3e: {  	_ =	shalt  }
0x3f: {  	_ =	shalt  }
0x40: {  	_ =	shalt  }
0x41: {  	_ =	shalt  }
0x42: {  	_ =	shalt  }
0x43: {  	_ =	shalt  }
0x44: {  	_ =	shalt  }
0x45: {  	_ =	shalt  }
0x46: {  	_ =	shalt  }
0x47: {  	_ =	shalt  }
0x48: {  	_ =	shalt  }
0x49: {  	_ =	shalt  }
0x4a: {  	_ =	shalt  }
0x4b: {  	_ =	shalt  }
0x4c: {  	_ =	shalt  }
0x4d: {  	_ =	shalt  }
0x4e: {  	_ =	shalt  }
0x4f: {  	_ =	shalt  }
0x50: {  	_ =	shalt  }
0x51: {  	_ =	shalt  }
0x52: {  	_ =	shalt  }
0x53: {  	_ =	shalt  }
0x54: {  	_ =	shalt  }
0x55: {  	_ =	shalt  }
0x56: {  	_ =	shalt  }
0x57: {  	_ =	shalt  }
0x58: {  	_ =	shalt  }
0x59: {  	_ =	shalt  }
0x5a: {  	_ =	shalt  }
0x5b: {  	_ =	shalt  }
0x5c: {  	_ =	shalt  }
0x5d: {  	_ =	shalt  }
0x5e: {  	_ =	shalt  }
0x5f: {  	_ =	shalt  }
0x60: {  	_ =	shalt  }
0x61: {  	_ =	shalt  }
0x62: {  	_ =	shalt  }
0x63: {  	_ =	shalt  }
0x64: {  	_ =	shalt  }
0x65: {  	_ =	shalt  }
0x66: {  	_ =	shalt  }
0x67: {  	_ =	shalt  }
0x68: {  	_ =	shalt  }
0x69: {  	_ =	shalt  }
0x6a: {  	_ =	shalt  }
0x6b: {  	_ =	shalt  }
0x6c: {  	_ =	shalt  }
0x6d: {  	_ =	shalt  }
0x6e: {  	_ =	shalt  }
0x6f: {  	_ =	shalt  }
0x70: {  	_ =	shalt  }
0x71: {  	_ =	shalt  }
0x72: {  	_ =	shalt  }
0x73: {  	_ =	shalt  }
0x74: {  	_ =	shalt  }
0x75: {  	_ =	shalt  }
0x76: {  	_ =	shalt  }
0x77: {  	_ =	shalt  }
0x78: {  	_ =	shalt  }
0x79: {  	_ =	shalt  }
0x7a: {  	_ =	shalt  }
0x7b: {  	_ =	shalt  }
0x7c: {  	_ =	shalt  }
0x7d: {  	_ =	shalt  }
0x7e: {  	_ =	shalt  }
0x7f: {  	_ =	shalt  }
0x80: {  	_ =	shalt  }
0x81: {  	_ =	shalt  }
0x82: {  	_ =	shalt  }
0x83: {  	_ =	shalt  }
0x84: {  	_ =	shalt  }
0x85: {  	_ =	shalt  }
0x86: {  	_ =	shalt  }
0x87: {  	_ =	shalt  }
.Lfunc_end0:
.L_simem_size_0:
called_computation_lowered:
.L_overlay_start_0:
0x88: {  	s0 =	sld [smem:$0x3FD9]  }
0x89: {  	s1 =	sld [smem:$0x3FFE];
	_ =	sdelay $0x3  }
0x8a: {  	s0 =	sadd.s32 s1, s0  }
0x8b: {  	[smem:$0x3FC0] =	sst s0  }
0x8c: {  	_ = 	snop  }
0x8d: {  	s0 =	sld [smem:$0x3FC9]  }
0x8e: {  	s13 =	sld [smem:$0x3FD0]  }
0x8f: {  	s2 =	sld [smem:$0x3FC8]  }
0x90: {  	s3 =	sld [smem:$0x3FC7]  }
0x91: {  	s5 =	simm.s32 $0xA;
	s6 =	simm.s32 $0x10;
	s4 =	sld [smem:$0x3FC2]  }
0x92: {  	[smem:s6], [sflag:s5] =	dma.local [hbm:s13], $0x1  }
0x93: {  	_ =	swait.eq [sflag:s5], $0x1  }
0x94: {  	[sflag:s5] =	ssyncset.done $0x0  }
0x95: {  	s14 =	sld [smem:$0x10];
	[sflag:s5] =	ssyncadd.s32 $0xFFFFFFFF  }
0x96: {  	s15 =	sld [smem:$0x11];
	(tm) =	ssettm $0x1  }
0x97: {  	s16 =	sld [smem:$0x3FFB];
	_ =	sdelay $0x3  }
0x98: {  	_ =	strace s16  }
0x99: {  	s6 =	sld [smem:$0x3FFC];
	_ =	sdelay $0x3  }
0x9a: {  	_ =	strace s6  }
0x9b: {  	s6 =	sld [smem:$0x3FFD];
	_ =	sdelay $0x3  }
0x9c: {  	_ =	strace s6  }
0x9d: {  	_ =	strace $0x8FFFFFFF  }
0x9e: {  	s17 =	sld [smem:$0x3FDB];
	_ =	sdelay $0x1  }
0x9f: {  	s7 =	simm.s32 $_scs_section_size  }
0xa0: {  	s8 =	simm.s32 $_size__tile_overlayer_lowered;
	s9 =	simm.s32 $_tile_overlayer_lowered  }
0xa1: {  	s20 =	simm.s32 $0x1BFF;
	s19 =	sshll.u32 s9, $0x1;
	s6 =	sadd.s32 s7, s17  }
0xa2: {  	s10 =	simm.s32 $0x0;
	s18 =	sshll.u32 s8, $0x1;
	s8 =	sadd.s32 s19, s6  }
0xa3: {  	[timem:s10], [sflag:s20] =	dma.local [hbm:s8], s18  }
0xa4: {  	_ =	swait.ge [sflag:s20], s18  }
0xa5: {  	s7 =	ssub.s32 $0x0, s18;
	[sflag:s20] =	ssyncset.done $0x0  }
0xa6: {  	[sflag:s20] =	ssyncadd.s32 s7;
	_ =	sdelay $0x1  }
0xa7: {  	s21 =	simm.s32 $0x1B8B  }
0xa8: {  	_ =	swait.ge [sflag:s21], $0x1  }
0xa9: {  	[sflag:s21] =	ssyncset.done $0x0  }
0xaa: {  	s23 =	simm.s32 $0x1B8E;
	s22 =	sld [smem:$0x3FFE];
	[sflag:s21] =	ssyncadd.s32 $0xFFFFFFFF  }
0xab: {  	s24 =	simm.s32 $execute0_lowered;
	[smem:$0x3FD2] =	sst s23  }
0xac: {  	s8 =	sshll.u32 s24, $0x1;
	_ =	strace $0x80000046;
	[dreg:$0x1] =	wrdreg $0xFFFFFFFF  }
0xad: {  	s25 =	simm.s32 $_size_execute0_lowered;
	s6 =	sadd.s32 s6, s8;
	[dreg:$0x0] =	wrdreg $0x0  }
0xae: {  	s8 =	sshll.u32 s25, $0x1;
	[dreg:$0x2] =	wrdreg s6  }
0xaf: {  	[dreg:$0x3] =	wrdreg s8  }
0xb0: {  	[dreg:$0x4] =	wrdreg $0xC0  }
0xb1: {  	_ =	task [dreg:s10], $0x5FFFF  }
0xb2: {  	[dreg:$0x1] =	wrdreg $0xFFFFFFFF  }
0xb3: {  	[dreg:$0x0] =	wrdreg $0x60  }
0xb4: {  	[dreg:$0x2] =	wrdreg s0  }
0xb5: {  	[dreg:$0x3] =	wrdreg s2  }
0xb6: {  	[dreg:$0x4] =	wrdreg s3  }
0xb7: {  	[dreg:$0x5] =	wrdreg s22  }
0xb8: {  	[dreg:$0x6] =	wrdreg s4  }
0xb9: {  	[dreg:$0x7] =	wrdreg s14  }
0xba: {  	[dreg:$0x8] =	wrdreg s15  }
0xbb: {  	[dreg:$0x9] =	wrdreg $0x9  }
0xbc: {  	_ =	task.clear_ibuf [dreg:s10], $0xAFFFF;
	_ =	strace $0x90000046  }
0xbd: {  	s26 =	simm.s32 $0x9;
	_ =	strace $0x80000048  }
0xbe: {  	_ =	swait.ge [sflag:s26], $0x1  }
0xbf: {  	[sflag:s26] =	ssyncadd.s32 $0xFFFFFFFF  }
0xc0: {  	_ =	strace $0x90000048  }
0xc1: {  	_ =	sfence  }
0xc2: {  	s28 =	sld [smem:$0x0];
	_ =	sdelay $0x1  }
0xc3: {  	s29 =	srdreg.scid  }
0xc4: {  	s30 =	sshll.u32 s29, $0xD;
	s31 =	sshrl.u32 s29, $0x2  }
0xc5: {  	s1 =	sand.u32 $0x1, s29;
	s2 =	sand.u32 $0x4000, s30;
	s0 =	sadd.s32 s31, s28  }
0xc6: {  	s1 =	sor.u32 s2, s1;
	s0 =	sshll.u32 s0, $0x11  }
0xc7: {  	s0 =	sor.u32 s0, s1  }
0xc8: {  	s0 =	sadd.s32 $0x8F2B, s0  }
0xc9: {  	[sflag:s0] =	ssyncadd.remote.s32 $0x1  }
0xca: {  	_ =	sfence.sel $0xFFFF  }
0xcb: {  	[dreg:$0x0] =	wrdreg $0xFFFFFFFF;
	(pc) =	sbr.abs _section_cstart, $3  }
0xcc: {  	[dreg:$0x1] =	wrdreg $0xFFFFFFFF  }
0xcd: {  	_ =	task.clear_ibuf [dreg:s10], $0x2FFFF;
	_ =	strace $0x9FFFFFFF  }
0xce: {  	(tm) =	ssettm $0x7FFFFFFF  }
0xcf: {  	_ =	shalt  }
tec
execute0_lowered:
.L_overlay_start_1:
0x0: {  	(tag) =	ssettag $0x1  }
0x1: {  	s6 =	rddreg [dreg:$0x0]  }
0x2: {  	s4 =	rddreg [dreg:$0x1]  }
0x3: {  	s7 =	rddreg [dreg:$0x2]  }
0x4: {  	s3 =	rddreg [dreg:$0x3]  }
0x5: {  	s5 =	rddreg [dreg:$0x4]  }
0x6: {  	s2 =	rddreg [dreg:$0x5]  }
0x7: {  	s1 =	rddreg [dreg:$0x6];
	s8 =	stileid.u32  }
0x8: {  	s0 =	rddreg [dreg:$0x7];
	_ =	strace $0x80000047;
	p0 =	sne.s32 s8, $0x0  }
0x9: {  	_ =	sfence.sel @p0 $0x180000  }
0xa: {  	[bflag:$0x0] =	sbarrier.arrive @p0 $0xFFFF  }
0xb: {  	_ =	strace @p0 $0x90000047  }
0xc: {  	[bflag:$0x2] =	sbarrier.arrive @p0 $0xFFFF  }
0xd: {  	_ =	shalt @p0  }
.LBB2_1:
0xe: {  	s8 =	sadd.s32 $0xE00, s3;
	s9 =	simm.s32 $0x0;
	s10 =	simm.s32 $0xC30  }
0xf: {  	[tilespmem:s10], [sflag:$0x1] =	stream.linear.gather [hbm4b:s8+s9], $0x800, $0x38;
	[tilespmem:$0x1460] =	vst v63  }
0x10: {  	_ = 	snop  }
0x11: {  	[tilespmem:s9], [sflag:$0x2] =	stream.linear.gather [hbm4b:s6+s9], $0x8, $0x38;
	[tilespmem:$0x1460] =	vst v63  }
0x12: {  	s14 =	simm.s32 $0x8  }
0x13: {  	[tilespmem:s14], [sflag:$0x2] =	stream.linear.gather [hbm4b:s7+s9], $0x8, $0x38;
	[tilespmem:$0x1460] =	vst v63  }
0x14: {  	s15 =	simm.s32 $0x10  }
0x15: {  	[tilespmem:s15], [sflag:$0x2] =	stream.linear.gather [hbm4b:s4+s9], $0x1, $0x38;
	[tilespmem:$0x1460] =	vst v63  }
0x16: {  	s16 =	simm.s32 $0x1430;
	s17 =	simm.s32 $0x2  }
0x17: {  	[tilespmem:s16], [sflag:$0x3] =	stream.linear.gather [hbm4b:s5+s9], $0x2, $0x38;
	[tilespmem:$0x1460] =	vst v63  }
0x18: {  	_ =	swait.ge [sflag:s17], $0x8  }
0x19: {  	[sflag:s17] =	ssyncset.done $0x0  }
0x1a: {  	[sflag:s17] =	ssyncadd.s32 $0xFFFFFFF8  }
0x1b: {  	_ =	swait.ge [sflag:s17], $0x8  }
0x1c: {  	[sflag:s17] =	ssyncset.done $0x0  }
0x1d: {  	[sflag:s17] =	ssyncadd.s32 $0xFFFFFFF8  }
0x1e: {  	_ =	swait.ge [sflag:s17], $0x1  }
0x1f: {  	[sflag:s17] =	ssyncset.done $0x0  }
0x20: {  	[sflag:s17] =	ssyncadd.s32 $0xFFFFFFFF  }
0x21: {  	v0 =	vld [tilespmem:$0x10];
	_ =	sdelay $0x4  }
0x22: {  	v0 =	vadd.f32 $5.000000000e-01, v0;
	_ =	sdelay $0x1  }
0x23: {  	v0 =	vtrunc.f32 v0  }
0x24: {  	v0 =	vcvt.f32.s32 v0;
	_ =	sdelay $0x1  }
0x25: {  	s18 =	sadd.s32 $0x1000, s3;
	s19 =	simm.s32 $0x1;
	s20 =	simm.s32 $0x30;
	[tilespmem:$0x20] =	vst v0  }
0x26: {  	[tilespmem:s20], [sflag:$0x4] =	stream.indirect.gather [hbm4b:s18+s19], $0x400, s9, s19, $0xb8;
	[tilespmem:$0x1460] =	vst v63  }
0x27: {  	s21 =	sadd.s32 $0x2200, s3;
	s22 =	simm.s32 $0x20;
	s23 =	simm.s32 $0x430  }
0x28: {  	[tilespmem:s23], [sflag:$0x4] =	stream.indirect.gather [hbm4b:s21+s19], $0x400, s22, s19, $0xb8;
	[tilespmem:$0x1460] =	vst v63  }
0x29: {  	s24 =	sadd.s32 $0x2000, s3;
	s25 =	simm.s32 $0x830;
	s26 =	simm.s32 $0x4  }
0x2a: {  	[tilespmem:s25], [sflag:$0x4] =	stream.indirect.gather [hbm4b:s24+s19], $0x400, s14, s19, $0xb8;
	[tilespmem:$0x1460] =	vst v63  }
0x2b: {  	_ =	swait.ge [sflag:s26], $0x400  }
0x2c: {  	[sflag:s26] =	ssyncset.done $0x0  }
0x2d: {  	[sflag:s26] =	ssyncadd.s32 $0xFFFFFC00  }
0x2e: {  	_ =	swait.ge [sflag:s26], $0x400  }
0x2f: {  	[sflag:s26] =	ssyncset.done $0x0  }
0x30: {  	[sflag:s26] =	ssyncadd.s32 $0xFFFFFC00  }
0x31: {  	_ =	swait.ge [sflag:s26], $0x400  }
0x32: {  	[sflag:s26] =	ssyncset.done $0x0  }
0x33: {  	[sflag:s26] =	ssyncadd.s32 $0xFFFFFC00  }
0x34: {  	_ =	swait.ge [sflag:s19], $0x800  }
0x35: {  	[sflag:s19] =	ssyncset.done $0x0  }
0x36: {  	s28 =	simm.s32 $0x3;
	v0 =	vlaneseq.u32;
	[sflag:s19] =	ssyncadd.s32 $0xFFFFF800  }
0x37: {  	v2 =	vmul.u32 $0x2, v0;
	_ =	swait.ge [sflag:s28], $0x2  }
0x38: {  	[sflag:s28] =	ssyncset.done $0x0  }
0x39: {  	s29 =	simm.s32 $0x70;
	v0 =	vor.u32 $0x1, v2;
	[sflag:s28] =	ssyncadd.s32 $0xFFFFFFFE  }
0x3a: {  	s30 =	simm.s32 $0x470;
	v1 =	vld [tilespmem:s29+$0x30]  }
0x3b: {  	v3 =	vld [tilespmem:s30+$0x30]  }
0x3c: {  	s3 =	simm.s32 $0x870;
	v5 =	vld [tilespmem:s30+$0xFFFFFFC0]  }
0x3d: {  	s31 =	simm.s32 $0x0;
	v4 =	vld [tilespmem:s3+$0x30]  }
0x3e: {  	v6 =	vld.idx.msk [tilespmem:v0+s31+$0xD10], $0xffff  }
0x3f: {  	v7 =	vld [tilespmem:s29+$0xFFFFFFD0]  }
0x40: {  	v8 =	vld [tilespmem:s30+$0xFFFFFFD0]  }
0x41: {  	v9 =	vld [tilespmem:s29+$0xFFFFFFE0]  }
0x42: {  	v10 =	vld [tilespmem:s30+$0xFFFFFFE0]  }
0x43: {  	v11 =	vld [tilespmem:s29+$0xFFFFFFF0]  }
0x44: {  	v12 =	vld [tilespmem:s30+$0xFFFFFFF0]  }
0x45: {  	v13 =	vld [tilespmem:s29+$0x0]  }
0x46: {  	v14 =	vld [tilespmem:s30+$0x0]  }
0x47: {  	v15 =	vld [tilespmem:s29+$0x10]  }
0x48: {  	v16 =	vld [tilespmem:s30+$0x10]  }
0x49: {  	v17 =	vld [tilespmem:s29+$0x20]  }
0x4a: {  	v18 =	vld [tilespmem:s30+$0x20]  }
0x4b: {  	v19 =	vld [tilespmem:s29+$0xFFFFFFC0]  }
0x4c: {  	v20 =	vld [tilespmem:s3+$0xFFFFFFC0]  }
0x4d: {  	v21 =	vld [tilespmem:s3+$0xFFFFFFD0]  }
0x4e: {  	v22 =	vld [tilespmem:s3+$0xFFFFFFE0]  }
0x4f: {  	v23 =	vld [tilespmem:s3+$0xFFFFFFF0]  }
0x50: {  	v24 =	vld [tilespmem:s3+$0x0]  }
0x51: {  	v25 =	vld [tilespmem:s3+$0x10]  }
0x52: {  	v26 =	vld [tilespmem:s3+$0x20]  }
0x53: {  	v27 =	vld.idx.msk [tilespmem:v2+s31+$0xC30], $0xffff;
	v1 =	vadd.f32 v3, v1  }
0x54: {  	v7 =	vadd.f32 v8, v7;
	v8 =	vld.idx.msk [tilespmem:v2+s31+$0xC50], $0xffff;
	v9 =	vadd.f32 v10, v9  }
0x55: {  	v10 =	vld.idx.msk [tilespmem:v0+s31+$0xC50], $0xffff;
	v11 =	vadd.f32 v12, v11;
	v5 =	vadd.f32 v5, v19  }
0x56: {  	v12 =	vld.idx.msk [tilespmem:v2+s31+$0xC70], $0xffff;
	v13 =	vadd.f32 v14, v13;
	v14 =	vadd.f32 v16, v15  }
0x57: {  	v15 =	vld.idx.msk [tilespmem:v0+s31+$0xC70], $0xffff;
	v16 =	vadd.f32 v18, v17;
	v4 =	vadd.f32 v4, v1  }
0x58: {  	v11 =	vadd.f32 v23, v11;
	v23 =	vadd.f32 v24, v13;
	v24 =	vld.idx.msk [tilespmem:v2+s31+$0xCB0], $0xffff  }
0x59: {  	v7 =	vadd.f32 v21, v7;
	v1 =	vmul.f32 v6, v4;
	v6 =	vld.idx.msk [tilespmem:v0+s31+$0xC30], $0xffff  }
0x5a: {  	v5 =	vadd.f32 v20, v5;
	v18 =	vadd.f32 v26, v16;
	v16 =	vld.idx.msk [tilespmem:v2+s31+$0xCD0], $0xffff  }
0x5b: {  	v9 =	vadd.f32 v22, v9;
	v8 =	vmul.f32 v8, v7;
	v7 =	vmul.f32 v10, v7;
	v10 =	vld.idx.msk [tilespmem:v0+s31+$0xCB0], $0xffff  }
0x5c: {  	v3 =	vimm.f32 $0.0e+00;
	v20 =	vld.idx.msk [tilespmem:v2+s31+$0xC90], $0xffff;
	v19 =	vadd.f32 v25, v14  }
0x5d: {  	v21 =	vld.idx.msk [tilespmem:v0+s31+$0xC90], $0xffff;
	v13 =	vmul.f32 v27, v5;
	v14 =	vadd.f32 v8, v3;
	v8 =	vmul.f32 v12, v9  }
0x5e: {  	v1 =	vadd.f32 v1, v3;
	v12 =	vmul.f32 v24, v23;
	v5 =	vmul.f32 v6, v5  }
0x5f: {  	v22 =	vld.idx.msk [tilespmem:v0+s31+$0xCD0], $0xffff;
	v17 =	vadd.f32 v13, v3;
	v28 =	vmul.f32 v16, v19;
	v16 =	vimm.f32 $0.0e+00  }
0x60: {  	s4 =	simm.s32 $0xF0;
	v25 =	vld.idx.msk [tilespmem:v2+s31+$0xCF0], $0xffff;
	v12 =	vadd.f32 v12, v3;
	v23 =	vmul.f32 v10, v23;
	v6 =	vadd.f32 v5, v3  }
0x61: {  	v26 =	vld [tilespmem:s4+$0x30];
	v5 =	vadd.f32 v7, v3;
	v7 =	vmul.f32 v15, v9;
	v9 =	vmul.f32 v20, v11  }
0x62: {  	v10 =	vimm.f32 $0.0e+00;
	v15 =	vadd.f32 v8, v3;
	v11 =	vmul.f32 v21, v11;
	v21 =	vld.idx.msk [tilespmem:v0+s31+$0xCF0], $0xffff  }
0x63: {  	s5 =	simm.s32 $0x4F0;
	v24 =	vld.idx.msk [tilespmem:v2+s31+$0xD10], $0xffff;
	v20 =	vimm.f32 $0.0e+00;
	v8 =	vadd.f32 v7, v3;
	v13 =	vadd.f32 v9, v3  }
0x64: {  	s6 =	simm.s32 $0x400;
	s7 =	simm.s32 $0x800;
	v27 =	vld [tilespmem:s5+$0x30];
	v7 =	vadd.f32 v11, v3;
	v9 =	vimm.f32 $0.0e+00;
	v11 =	vimm.f32 $0.0e+00  }
.LBB2_2:
0x65: {  	p0 =	sne.s32 s7, $0x1C00;
	v29 =	vld [tilespmem:s5+$0xFFFFFFC0];
	v3 =	vadd.f32 v23, v3;
	v19 =	vmul.f32 v22, v19;
	s3 =	sadd.s32 $0x80, s3  }
0x66: {  	s8 =	sshra.s32 s6, $0x2;
	v23 =	vmul.f32 v25, v18;
	s6 =	smov.u32 s7;
	v22 =	vld [tilespmem:s3+$0x30];
	v20 =	vadd.f32 v28, v20  }
0x67: {  	v18 =	vmul.f32 v21, v18;
	v25 =	vld.idx.msk [tilespmem:v0+s8+$0xD10], $0xffff;
	v9 =	vadd.f32 v19, v9  }
0x68: {  	v16 =	vadd.f32 v23, v16;
	v4 =	vmul.f32 v24, v4;
	v19 =	vld [tilespmem:s4+$0xFFFFFFD0]  }
0x69: {  	v10 =	vadd.f32 v18, v10;
	v21 =	vld [tilespmem:s5+$0xFFFFFFD0];
	v23 =	vadd.f32 v27, v26  }
0x6a: {  	v11 =	vadd.f32 v4, v11;
	v18 =	vld [tilespmem:s4+$0xFFFFFFE0]  }
0x6b: {  	v24 =	vld [tilespmem:s5+$0xFFFFFFE0];
	v4 =	vadd.f32 v22, v23  }
0x6c: {  	v22 =	vld [tilespmem:s4+$0xFFFFFFF0]  }
0x6d: {  	v23 =	vld [tilespmem:s5+$0xFFFFFFF0];
	v25 =	vmul.f32 v25, v4  }
0x6e: {  	v19 =	vadd.f32 v21, v19;
	v21 =	vld [tilespmem:s4+$0x0]  }
0x6f: {  	v26 =	vld [tilespmem:s5+$0x0];
	v1 =	vadd.f32 v25, v1  }
0x70: {  	v18 =	vadd.f32 v24, v18;
	v24 =	vld [tilespmem:s4+$0x10]  }
0x71: {  	v25 =	vld [tilespmem:s5+$0x10]  }
0x72: {  	v22 =	vadd.f32 v23, v22;
	v23 =	vld [tilespmem:s4+$0x20]  }
0x73: {  	v27 =	vld [tilespmem:s5+$0x20]  }
0x74: {  	v28 =	vld [tilespmem:s4+$0xFFFFFFC0];
	v21 =	vadd.f32 v26, v21  }
0x75: {  	v26 =	vld [tilespmem:s3+$0xFFFFFFC0]  }
0x76: {  	v30 =	vld [tilespmem:s3+$0xFFFFFFD0];
	v24 =	vadd.f32 v25, v24  }
0x77: {  	v25 =	vld [tilespmem:s3+$0xFFFFFFE0]  }
0x78: {  	v31 =	vld [tilespmem:s3+$0xFFFFFFF0];
	v23 =	vadd.f32 v27, v23  }
0x79: {  	v27 =	vadd.f32 v29, v28;
	v28 =	vld [tilespmem:s3+$0x0]  }
0x7a: {  	v29 =	vld [tilespmem:s3+$0x10]  }
0x7b: {  	v26 =	vadd.f32 v26, v27;
	v27 =	vadd.f32 v30, v19;
	v30 =	vld [tilespmem:s3+$0x20]  }
0x7c: {  	v32 =	vld.idx.msk [tilespmem:v2+s8+$0xC30], $0xffff;
	v25 =	vadd.f32 v25, v18  }
0x7d: {  	v33 =	vld.idx.msk [tilespmem:v0+s8+$0xC30], $0xffff;
	v31 =	vadd.f32 v31, v22  }
0x7e: {  	v22 =	vld.idx.msk [tilespmem:v2+s8+$0xC50], $0xffff;
	v28 =	vadd.f32 v28, v21  }
0x7f: {  	v21 =	vld.idx.msk [tilespmem:v0+s8+$0xC50], $0xffff;
	v19 =	vadd.f32 v29, v24  }
0x80: {  	v24 =	vld.idx.msk [tilespmem:v2+s8+$0xC70], $0xffff;
	v18 =	vadd.f32 v30, v23  }
0x81: {  	v23 =	vld.idx.msk [tilespmem:v0+s8+$0xC70], $0xffff  }
0x82: {  	v29 =	vmul.f32 v32, v26;
	v30 =	vld.idx.msk [tilespmem:v2+s8+$0xC90], $0xffff  }
0x83: {  	v26 =	vmul.f32 v33, v26;
	v32 =	vld.idx.msk [tilespmem:v0+s8+$0xC90], $0xffff  }
0x84: {  	v17 =	vadd.f32 v29, v17;
	v22 =	vmul.f32 v22, v27;
	v29 =	vld.idx.msk [tilespmem:v2+s8+$0xCB0], $0xffff  }
0x85: {  	v6 =	vadd.f32 v26, v6;
	v21 =	vmul.f32 v21, v27;
	v27 =	vld.idx.msk [tilespmem:v0+s8+$0xCB0], $0xffff  }
0x86: {  	v14 =	vadd.f32 v22, v14;
	v24 =	vmul.f32 v24, v25;
	v33 =	vld.idx.msk [tilespmem:v2+s8+$0xCD0], $0xffff  }
0x87: {  	v5 =	vadd.f32 v21, v5;
	v21 =	vmul.f32 v23, v25;
	v22 =	vld.idx.msk [tilespmem:v0+s8+$0xCD0], $0xffff  }
.Ltmp0:
0x88: {  	v15 =	vadd.f32 v24, v15;
	v23 =	vmul.f32 v30, v31;
	v25 =	vld.idx.msk [tilespmem:v2+s8+$0xCF0], $0xffff;
	(pc) =	sbr.rel @p0 .LBB2_2-.Ltmp0, $4  }
0x89: {  	v8 =	vadd.f32 v21, v8;
	v30 =	vmul.f32 v32, v31;
	v21 =	vld.idx.msk [tilespmem:v0+s8+$0xCF0], $0xffff  }
0x8a: {  	s4 =	sadd.s32 $0x80, s4;
	v13 =	vadd.f32 v23, v13;
	v29 =	vmul.f32 v29, v28;
	v24 =	vld.idx.msk [tilespmem:v2+s8+$0xD10], $0xffff  }
0x8b: {  	s5 =	sadd.s32 $0x80, s5;
	v7 =	vadd.f32 v30, v7;
	v23 =	vmul.f32 v27, v28;
	v26 =	vld [tilespmem:s4+$0x30]  }
0x8c: {  	s7 =	sadd.s32 $0x400, s7;
	v12 =	vadd.f32 v29, v12;
	v28 =	vmul.f32 v33, v19;
	v27 =	vld [tilespmem:s5+$0x30]  }
0x8d: {  	v29 =	vld [tilespmem:s5+$0xFFFFFFC0]  }
0x8e: {  	v30 =	vld [tilespmem:s4+$0xFFFFFFD0]  }
0x8f: {  	v31 =	vld [tilespmem:s5+$0xFFFFFFD0]  }
0x90: {  	v32 =	vld [tilespmem:s4+$0xFFFFFFE0]  }
0x91: {  	v33 =	vld [tilespmem:s5+$0xFFFFFFE0]  }
0x92: {  	v34 =	vld [tilespmem:s4+$0xFFFFFFF0]  }
0x93: {  	v35 =	vld [tilespmem:s5+$0xFFFFFFF0]  }
0x94: {  	v36 =	vld [tilespmem:s4+$0x0]  }
0x95: {  	v37 =	vld [tilespmem:s5+$0x0]  }
0x96: {  	v38 =	vld [tilespmem:s4+$0x10]  }
0x97: {  	v39 =	vld [tilespmem:s5+$0x10]  }
0x98: {  	v40 =	vld [tilespmem:s4+$0x20]  }
0x99: {  	v41 =	vld [tilespmem:s4+$0xFFFFFFC0]  }
0x9a: {  	s24 =	sadd.s32 $0x80, s3;
	v42 =	vld [tilespmem:s5+$0x20]  }
0x9b: {  	v43 =	vld [tilespmem:s24+$0xFFFFFFC0]  }
0x9c: {  	s25 =	sshra.s32 s6, $0x2;
	v44 =	vld [tilespmem:s24+$0xFFFFFFD0]  }
0x9d: {  	v45 =	vld.idx.msk [tilespmem:v2+s25+$0xC30], $0xffff  }
0x9e: {  	v46 =	vld [tilespmem:s24+$0xFFFFFFE0]  }
0x9f: {  	v59 =	vld.idx.msk [tilespmem:v2+s25+$0xC50], $0xffff;
	v29 =	vadd.f32 v29, v41  }
0xa0: {  	v60 =	vld [tilespmem:s24+$0xFFFFFFF0]  }
0xa1: {  	v61 =	vld.idx.msk [tilespmem:v2+s25+$0xC70], $0xffff;
	v30 =	vadd.f32 v31, v30;
	v29 =	vadd.f32 v43, v29  }
0xa2: {  	v62 =	vld [tilespmem:s24+$0x0]  }
0xa3: {  	v47 =	vld.idx.msk [tilespmem:v2+s25+$0xC90], $0xffff;
	v32 =	vadd.f32 v33, v32;
	v30 =	vadd.f32 v44, v30;
	v63 =	vmul.f32 v45, v29  }
0xa4: {  	v20 =	vadd.f32 v28, v20;
	v48 =	vld [tilespmem:s24+$0x10];
	v45 =	vadd.f32 v35, v34  }
0xa5: {  	v49 =	vld.idx.msk [tilespmem:v2+s25+$0xCB0], $0xffff;
	v32 =	vadd.f32 v46, v32;
	v41 =	vmul.f32 v59, v30;
	v17 =	vadd.f32 v63, v17  }
0xa6: {  	v50 =	vld [tilespmem:s24+$0x20];
	v36 =	vadd.f32 v37, v36;
	v28 =	vadd.f32 v60, v45  }
0xa7: {  	v52 =	vld.idx.msk [tilespmem:v2+s25+$0xCD0], $0xffff;
	v51 =	vmul.f32 v61, v32;
	v14 =	vadd.f32 v41, v14;
	v17 =	vadd.f32 $0.0e+00, v17  }
0xa8: {  	v38 =	vadd.f32 v39, v38;
	v33 =	vadd.f32 v62, v36  }
0xa9: {  	v53 =	vld [tilespmem:s24+$0x30];
	v15 =	vadd.f32 v51, v15;
	v34 =	vmul.f32 v47, v28;
	v14 =	vadd.f32 v14, v17  }
0xaa: {  	v25 =	vmul.f32 v25, v18;
	v55 =	vld.idx.msk [tilespmem:v2+s25+$0xCF0], $0xffff;
	v54 =	vadd.f32 v42, v40;
	v35 =	vadd.f32 v48, v38  }
0xab: {  	v56 =	vld.idx.msk [tilespmem:v0+s25+$0xC30], $0xffff;
	v31 =	vmul.f32 v49, v33;
	v13 =	vadd.f32 v34, v13;
	v14 =	vadd.f32 v15, v14  }
0xac: {  	v58 =	vld.idx.msk [tilespmem:v2+s25+$0xD10], $0xffff;
	v26 =	vadd.f32 v27, v26;
	v57 =	vadd.f32 v50, v54;
	v60 =	vmul.f32 v52, v35  }
0xad: {  	v59 =	vld.idx.msk [tilespmem:v0+s25+$0xC50], $0xffff;
	v12 =	vadd.f32 v31, v12;
	v13 =	vadd.f32 v13, v14  }
0xae: {  	v16 =	vadd.f32 v25, v16;
	v4 =	vmul.f32 v24, v4;
	v20 =	vadd.f32 v60, v20  }
0xaf: {  	v61 =	vld.idx.msk [tilespmem:v0+s25+$0xC70], $0xffff;
	v62 =	vmul.f32 v55, v57;
	v17 =	vadd.f32 v53, v26;
	v12 =	vadd.f32 v12, v13  }
0xb0: {  	v4 =	vadd.f32 v4, v11;
	v63 =	vmul.f32 v56, v29  }
0xb1: {  	v29 =	vadd.f32 v62, v16;
	v26 =	vld.idx.msk [tilespmem:v0+s25+$0xC90], $0xffff;
	v2 =	vmul.f32 v58, v17;
	v12 =	vadd.f32 v20, v12  }
0xb2: {  	v6 =	vadd.f32 v63, v6;
	v31 =	vmul.f32 v59, v30  }
0xb3: {  	v34 =	vld.idx.msk [tilespmem:v0+s25+$0xCB0], $0xffff;
	v2 =	vadd.f32 v2, v4;
	v36 =	vadd.f32 v29, v12  }
0xb4: {  	v37 =	vmul.f32 v61, v32;
	v6 =	vadd.f32 $0.0e+00, v6;
	v5 =	vadd.f32 v31, v5  }
0xb5: {  	v38 =	vld.idx.msk [tilespmem:v0+s25+$0xCD0], $0xffff;
	v2 =	vadd.f32 v2, v36  }
0xb6: {  	v39 =	vadd.f32 v37, v8;
	v5 =	vadd.f32 v5, v6;
	v40 =	vmul.f32 v26, v28  }
0xb7: {  	v3 =	vadd.f32 v23, v3;
	v42 =	vld.idx.msk [tilespmem:v0+s25+$0xCF0], $0xffff;
	v41 =	vmul.f32 v22, v19;
	(xrf2) =	vadd.scan.msk.f32 $0xffff, v2  }
0xb8: {  	v44 =	vmul.f32 v34, v33;
	v4 =	vadd.f32 v39, v5;
	v43 =	vadd.f32 v40, v7  }
0xb9: {  	v45 =	vld.idx.msk [tilespmem:v0+s25+$0xD10], $0xffff;
	v46 =	vadd.f32 v41, v9;
	v47 =	vmul.f32 v21, v18  }
0xba: {  	v48 =	vmul.f32 v38, v35;
	v3 =	vadd.f32 v44, v3;
	v2 =	vadd.f32 v43, v4  }
0xbb: {  	v49 =	vadd.f32 v47, v10  }
0xbc: {  	v50 =	vmul.f32 v42, v57;
	v5 =	vadd.f32 v48, v46;
	v2 =	vadd.f32 v3, v2;
	_ =	sdelay $0x1  }
0xbd: {  	s26 =	simm.s32 $0x1430;
	v0 =	vmul.f32 v45, v17;
	v51 =	vadd.f32 v50, v49;
	v2 =	vadd.f32 v5, v2  }
0xbe: {  	v52 =	vld.msk [tilespmem:s26+$0x0], $0xffff  }
0xbf: {  	v0 =	vadd.f32 v0, v1;
	v53 =	vadd.f32 v51, v2  }
0xc0: {  	v54, _, _ =	vpop (xrf2)  }
0xc1: {  	v0 =	vadd.f32 v0, v53;
	v55 =	vbroadcast v54, $0xF;
	_ =	sdelay $0x1  }
0xc2: {  	(xrf2) =	vadd.scan.msk.f32 $0xffff, v0;
	v56 =	vadd.f32 v52, v55;
	_ =	sdelay $0x1  }
0xc3: {  	v0 =	vsub.f32 $0.0e+00, v56  }
0xc4: {  	v57 =	vimm.s32 $0x1  }
0xc5: {  	v0 =	vmul.f32 $1.442695020e+00, v0;
	_ =	sdelay $0x1  }
0xc6: {  	(erf) = vpow2.f32 v0;
	_ =	sdelay $0x1  }
0xc7: {  	v58 =	vld.idx.msk [tilespmem:v57+s26+$0x0], $0xffff;
	_ =	sdelay $0x1  }
0xc8: {  	v59, _, _ =	vpop (xrf2)  }
0xc9: {  	v1 =	vbroadcast v59, $0xF;
	_ =	sdelay $0x1  }
0xca: {  	v0 =	vadd.f32 v58, v1;
	_ =	sdelay $0x1  }
0xcb: {  	v0 =	vsub.f32 $0.0e+00, v0;
	v60 =	vpop (erf)  }
0xcc: {  	v1 =	vadd.f32 $1.000000000e+00, v60  }
0xcd: {  	v0 =	vmul.f32 $1.442695020e+00, v0  }
0xce: {  	(erf) = vrcp.f32 v1  }
0xcf: {  	(erf) = vpow2.f32 v0;
	_ =	sdelay $0x7  }
0xd0: {  	v61 =	vpop (erf)  }
0xd1: {  	v62 =	vpop (erf)  }
0xd2: {  	v1 =	vadd.f32 $1.000000000e+00, v62;
	_ =	sdelay $0x1  }
0xd3: {  	(erf) = vrcp.f32 v1;
	_ =	sdelay $0x8  }
0xd4: {  	[tilespmem:$0x1440] =	vst v61;
	v63 =	vpop (erf)  }
0xd5: {  	s28 =	simm.s32 $0x0;
	s29 =	simm.s32 $0x1440;
	s30 =	simm.s32 $0x5;
	[tilespmem:$0x1450] =	vst v63  }
0xd6: {  	[hbm4b:s2+s28] =	stream.linear.scatter [tilespmem:s29], [sflag:$0x5], $0x1, $0x38;
	[tilespmem:$0x1460] =	vst v63  }
0xd7: {  	_ =	swait.ge [sflag:s30], $0x1  }
0xd8: {  	[sflag:s30] =	ssyncset.done $0x0  }
0xd9: {  	s31 =	simm.s32 $0x1450;
	[sflag:s30] =	ssyncadd.s32 $0xFFFFFFFF  }
0xda: {  	[hbm4b:s1+s28] =	stream.linear.scatter [tilespmem:s31], [sflag:$0x5], $0x1, $0x38;
	[tilespmem:$0x1460] =	vst v63  }
0xdb: {  	_ =	swait.ge [sflag:s30], $0x1  }
0xdc: {  	[sflag:s30] =	ssyncset.done $0x0  }
0xdd: {  	[sflag:s30] =	ssyncadd.s32 $0xFFFFFFFF  }
0xde: {  	_ =	sfence.sel $0x180000  }
0xdf: {  	[bflag:$0x0] =	sbarrier.arrive $0xFFFF  }
0xe0: {  	_ =	strace $0x90000047  }
0xe1: {  	s0 =	sadd.s32 $0x100000, s0;
	[bflag:$0x2] =	sbarrier.arrive $0xFFFF  }
0xe2: {  	[sflag:s0] =	ssyncadd.tile.s32 $0x1;
	_ =	shalt  }
.Lfunc_end2:
_tile_overlayer_lowered:
.L_overlay_start_2:
0xe3: {  	(tag) =	ssettag $0x2  }
0xe4: {  	s0 =	rddreg [dreg:$0x0];
	s2 =	stileid.u32  }
0xe5: {  	s1 =	rddreg [dreg:$0x1];
	p0 =	sne.s32 s2, $0x0  }
0xe6: {  	s3 =	rddreg [dreg:$0x2];
	[bflag:$0x3] =	sbarrier.arrive $0xFFFF;
	s2 =	simm.s32 @!p0 $0x1C05  }
0xe7: {  	[timem:s3], [sflag:s2] =	dma.local @!p0 [hbm:s0], s1  }
0xe8: {  	s0 =	simm.s32 @!p0 $0x5  }
0xe9: {  	_ =	swait.ge @!p0 [sflag:s0], s1  }
0xea: {  	s1 =	ssub.s32 @!p0 $0x0, s1;
	[sflag:s0] =	ssyncset.done @!p0 $0x0  }
0xeb: {  	[sflag:s0] =	ssyncadd.s32 @!p0 s1  }
0xec: {  	[bflag:$0x3] =	sbarrier.arrive $0xFFFF  }
0xed: {  	_ =	shalt  }

</sc_bundles>
